<compile_context>
chip_gen: v7x
topology: tpu7x:2x2x1
jax: 0.10.2.dev20260603
libtpu: 0.0.44.dev20260713+nightly
codegen_flags: <defaults>
</compile_context>

<pallas_src>
import functools

import jax
import jax.numpy as jnp
from jax import lax
from jax.experimental import pallas as pl
from jax.experimental.pallas import tpu as pltpu
from jax.experimental.pallas import tpu_sc as plsc

_NUM_E = 1000000
_DIM = 64
_WPG = _DIM // 4
_GROUP = 128
_SUPER = 8
_NW = 32
_ROWS_TC = 512


def _sc_gather(w8, idx2d, scales):
    groups_total = idx2d.shape[0]
    groups_per_w = groups_total // _NW
    supers_per_w = groups_per_w // _SUPER
    rows_per_super = _SUPER * _GROUP
    b_flat = groups_total * _GROUP

    mesh = plsc.VectorSubcoreMesh(core_axis_name="c", subcore_axis_name="s")

    @functools.partial(
        pl.kernel,
        mesh=mesh,
        out_type=[
            jax.ShapeDtypeStruct((b_flat, _DIM), jnp.int8),
            jax.ShapeDtypeStruct((b_flat,), jnp.float32),
        ],
        scratch_types=[
            pltpu.VMEM((groups_per_w, _GROUP), jnp.int32),
            pltpu.VMEM((rows_per_super, _DIM), jnp.int8),
            pltpu.VMEM((rows_per_super,), jnp.float32),
            pltpu.SemaphoreType.DMA,
            pltpu.SemaphoreType.DMA,
        ],
        compiler_params=pltpu.CompilerParams(use_tc_tiling_on_sc=False),
    )
    def k(w_hbm, idx_hbm, s_hbm, words_hbm, svals_hbm, idx_v, rows_v, sc_v,
          sem_w, sem_s):
        wid = lax.axis_index("s") * 2 + lax.axis_index("c")
        g0 = wid * groups_per_w
        pltpu.sync_copy(idx_hbm.at[pl.ds(g0, groups_per_w)], idx_v)

        def super_body(sg, carry):
            copies = []
            for j in range(_SUPER):
                row_idx = idx_v.at[sg * _SUPER + j]
                copies.append(pltpu.async_copy(
                    w_hbm.at[row_idx], rows_v.at[pl.ds(j * _GROUP, _GROUP)],
                    sem_w))
                copies.append(pltpu.async_copy(
                    s_hbm.at[row_idx], sc_v.at[pl.ds(j * _GROUP, _GROUP)],
                    sem_s))
            for cp in copies:
                cp.wait()
            base = (g0 + sg * _SUPER) * _GROUP
            pltpu.sync_copy(rows_v, words_hbm.at[pl.ds(base, rows_per_super)])
            pltpu.sync_copy(sc_v, svals_hbm.at[pl.ds(base, rows_per_super)])
            return carry

        lax.fori_loop(0, supers_per_w, super_body, 0)

    return k(w8, idx2d, scales)


def _tc_dequant_body(x_ref, s_ref, o_ref):
    xa = x_ref[...].astype(jnp.float32)
    s = s_ref[...]
    r2 = lax.broadcasted_iota(jnp.int32, (2, 2 * _DIM), 0)
    c2 = lax.broadcasted_iota(jnp.int32, (2, 2 * _DIM), 1)
    expand = (c2 // _DIM == r2).astype(jnp.float32)
    s128 = jnp.dot(s, expand, preferred_element_type=jnp.float32)
    o_ref[...] = xa * s128


def _tc_dequant(x8, s2):
    n = x8.shape[0]
    grid = (n // _ROWS_TC,)
    return pl.pallas_call(
        _tc_dequant_body,
        grid=grid,
        in_specs=[
            pl.BlockSpec((_ROWS_TC, 2 * _DIM), lambda i: (i, 0)),
            pl.BlockSpec((_ROWS_TC, 2), lambda i: (i, 0)),
        ],
        out_specs=pl.BlockSpec((_ROWS_TC, 2 * _DIM), lambda i: (i, 0)),
        out_shape=jax.ShapeDtypeStruct((n, 2 * _DIM), jnp.float32),
        compiler_params=pltpu.CompilerParams(
            dimension_semantics=("arbitrary",)),
    )(x8, s2)


def kernel(x, weights, scales):
    batch, hist = x.shape
    b_flat = batch * hist
    groups_total = b_flat // _GROUP
    idx2d = x.reshape(groups_total, _GROUP)
    rows8, svals = _sc_gather(weights, idx2d, scales)
    x8 = rows8.reshape(b_flat // 2, 2 * _DIM)
    s2 = svals.reshape(b_flat // 2, 2)
    out = _tc_dequant(x8, s2)
    return out.reshape(batch, hist, _DIM)

# --- scband reference (transcript-rebuilt; emitter-appended) ---
"""Pipeline reference for scband-qint-embedding-44538810860336 (READ-ONLY COPY).

The authoritative reference and input builder live on the scoring server;
editing this copy changes nothing except your own understanding.
"""

import jax, jax.numpy as jnp
import numpy as np

NUM_EMBEDDINGS = 1000000
EMBEDDING_DIM = 64
BATCH = 16384
HIST = 50


def setup_inputs(seed=0) -> dict:
    key = jax.random.key(seed)
    k1, k2, k3 = jax.random.split(key, 3)
    # forward arg: indices
    x = jax.random.randint(k1, (BATCH, HIST), 0, NUM_EMBEDDINGS, dtype=jnp.int32)
    # buffers: int8 quantized weights (iinfo(int8): min=-128, max=127) and per-row float32 scales
    weights = jax.random.randint(k2, (NUM_EMBEDDINGS, EMBEDDING_DIM), -128, 128, dtype=jnp.int32).astype(jnp.int8)
    scales = jax.random.normal(k3, (NUM_EMBEDDINGS,), dtype=jnp.float32) * 0.01
    return {"x": x, "weights": weights, "scales": scales}


def reference(x, weights, scales):
    # Faithful to Qint_Embedding.forward with post-quantize() state:
    # converted_weights = weights.to(float) * scales[:, None]  (dequantize full table)
    converted_weights = weights.astype(jnp.float32) * scales[:, None]
    # F.embedding(x, converted_weights) with padding_idx=None, max_norm=None -> plain row gather
    output = jnp.take(converted_weights, x, axis=0)
    return output

if __name__ == "__main__":
    import jax
    _d = setup_inputs()
    print(jax.jit(kernel)(*tuple(_d.values())))

</pallas_src>

<mosaic_0001>
#map = affine_map<(d0, d1) -> (0, 0)>
#map1 = affine_map<(d0, d1) -> (0)>
module attributes {stable_mosaic.version = 14 : i64} {
  func.func @k(%arg0: i32, %arg1: i32, %arg2: memref<1000000x64xi8, #tpu.memory_space<hbm>>, %arg3: memref<6400x128xi32, #tpu.memory_space<hbm>>, %arg4: memref<1000000xf32, #tpu.memory_space<hbm>>, %arg5: memref<819200x64xi8, #tpu.memory_space<hbm>>, %arg6: memref<819200xf32, #tpu.memory_space<hbm>>, %arg7: memref<200x128xi32, #tpu.memory_space<vmem>>, %arg8: memref<1024x64xi8, #tpu.memory_space<vmem>>, %arg9: memref<1024xf32, #tpu.memory_space<vmem>>, %arg10: memref<!tpu.dma_semaphore, #tpu.memory_space<semaphore_mem>>, %arg11: memref<!tpu.dma_semaphore, #tpu.memory_space<semaphore_mem>>) attributes {dimension_semantics = [#tpu.dimension_semantics<core_parallel>, #tpu.dimension_semantics<subcore_parallel>], iteration_bounds = array<i64: 2, 16>, scalar_prefetch = 0 : i64, scratch_operands = 5 : i64, tpu.core_type = #tpu.core_type<sc_vector_subcore>, window_params = [{transform_indices = #map}, {transform_indices = #map}, {transform_indices = #map1}, {transform_indices = #map}, {transform_indices = #map1}]} {
    %mul3A = arith.constant 2 : i32
    %mul3A_0 = arith.muli %arg1, %mul3A : i32
    %add3A = arith.addi %mul3A_0, %arg0 : i32
    %mul3A_1 = arith.constant 200 : i32
    %mul3A_2 = arith.muli %add3A, %mul3A_1 : i32
    "tpu.region"() ({
      %run_scoped3A = tpu.sem_alloc : memref<!tpu.dma_semaphore, #tpu.memory_space<semaphore_mem>>
      %dma_start3A = arith.constant 0 : i32
      %dma_start3A_8 = tpu.memref_slice %arg3[%mul3A_2, %dma_start3A] : memref<6400x128xi32, #tpu.memory_space<hbm>> -> memref<200x128xi32, #tpu.memory_space<hbm>>
      %dma_start3A_9 = arith.constant 0 : i32
      %dma_start3A_10 = tpu.memref_slice %arg3[%mul3A_2, %dma_start3A_9] : memref<6400x128xi32, #tpu.memory_space<hbm>> -> memref<200x128xi32, #tpu.memory_space<hbm>>
      tpu.enqueue_dma source(%dma_start3A_10 : memref<200x128xi32, #tpu.memory_space<hbm>>) target(%arg7 : memref<200x128xi32, #tpu.memory_space<vmem>>) target_semaphore(%run_scoped3A : memref<!tpu.dma_semaphore, #tpu.memory_space<semaphore_mem>>)
      %dma_wait3A = arith.constant 0 : i32
      %dma_wait3A_11 = tpu.memref_slice %arg3[%mul3A_2, %dma_wait3A] : memref<6400x128xi32, #tpu.memory_space<hbm>> -> memref<200x128xi32, #tpu.memory_space<hbm>>
      %dma_wait3A_12 = arith.constant 0 : i32
      %dma_wait3A_13 = tpu.memref_slice %arg3[%mul3A_2, %dma_wait3A_12] : memref<6400x128xi32, #tpu.memory_space<hbm>> -> memref<200x128xi32, #tpu.memory_space<hbm>>
      tpu.wait_dma2 semaphore(%run_scoped3A : memref<!tpu.dma_semaphore, #tpu.memory_space<semaphore_mem>>) src(%dma_wait3A_13 : memref<200x128xi32, #tpu.memory_space<hbm>>) dst(%arg7 : memref<200x128xi32, #tpu.memory_space<vmem>>)
      tpu.yield
    }) : () -> ()
    %scan3A = arith.constant 0 : i32
    %scan3A_3 = arith.constant 0 : i32
    %scan3A_4 = arith.constant 25 : i32
    %scan3A_5 = arith.addi %scan3A_3, %scan3A_4 : i32
    %scan3A_6 = arith.constant 1 : i32
    scf.for %scan3A_8 = %scan3A_3 to %scan3A_5 step %scan3A_6  : i32 {
      %mul3A_9 = arith.constant 8 : i32
      %mul3A_10 = arith.muli %scan3A_8, %mul3A_9 : i32
      %add3A_11 = arith.constant 0 : i32
      %add3A_12 = arith.addi %mul3A_10, %add3A_11 : i32
      %dma_start3A = arith.constant 0 : i32
      %dma_start3A_13 = arith.constant 0 : i32
      %dma_start3A_14 = tpu.memref_slice %arg8[%dma_start3A, %dma_start3A_13] : memref<1024x64xi8, #tpu.memory_space<vmem>> -> memref<128x64xi8, #tpu.memory_space<vmem>>
      %dma_start3A_15 = arith.constant 0 : i32
      %dma_start3A_16 = tpu.memref_slice %arg7[%add3A_12, %dma_start3A_15] : memref<200x128xi32, #tpu.memory_space<vmem>> -> memref<1x128xi32, #tpu.memory_space<vmem>>
      %dma_start3A_17 = tpu.memref_squeeze %dma_start3A_16 : memref<1x128xi32, #tpu.memory_space<vmem>> -> memref<128xi32, #tpu.memory_space<vmem>>
      %dma_start3A_18 = arith.constant 0 : i32
      %dma_start3A_19 = arith.constant 0 : i32
      %dma_start3A_20 = tpu.memref_slice %arg2[%dma_start3A_18, %dma_start3A_19] : memref<1000000x64xi8, #tpu.memory_space<hbm>> -> memref<1000000x64xi8, #tpu.memory_space<hbm>>
      tpu.enqueue_indirect_dma source(%dma_start3A_20 : memref<1000000x64xi8, #tpu.memory_space<hbm>>) target(%dma_start3A_14 : memref<128x64xi8, #tpu.memory_space<vmem>>) offsets(%dma_start3A_17 : memref<128xi32, #tpu.memory_space<vmem>>) semaphore(%arg10 : memref<!tpu.dma_semaphore, #tpu.memory_space<semaphore_mem>>)
      %dma_start3A_21 = arith.constant 0 : i32
      %dma_start3A_22 = tpu.memref_slice %arg9[%dma_start3A_21] : memref<1024xf32, #tpu.memory_space<vmem>> -> memref<128xf32, #tpu.memory_space<vmem>>
      %dma_start3A_23 = arith.constant 0 : i32
      %dma_start3A_24 = tpu.memref_slice %arg7[%add3A_12, %dma_start3A_23] : memref<200x128xi32, #tpu.memory_space<vmem>> -> memref<1x128xi32, #tpu.memory_space<vmem>>
      %dma_start3A_25 = tpu.memref_squeeze %dma_start3A_24 : memref<1x128xi32, #tpu.memory_space<vmem>> -> memref<128xi32, #tpu.memory_space<vmem>>
      %dma_start3A_26 = arith.constant 0 : i32
      %dma_start3A_27 = tpu.memref_slice %arg4[%dma_start3A_26] : memref<1000000xf32, #tpu.memory_space<hbm>> -> memref<1000000xf32, #tpu.memory_space<hbm>>
      tpu.enqueue_indirect_dma source(%dma_start3A_27 : memref<1000000xf32, #tpu.memory_space<hbm>>) target(%dma_start3A_22 : memref<128xf32, #tpu.memory_space<vmem>>) offsets(%dma_start3A_25 : memref<128xi32, #tpu.memory_space<vmem>>) semaphore(%arg11 : memref<!tpu.dma_semaphore, #tpu.memory_space<semaphore_mem>>)
      %mul3A_28 = arith.constant 8 : i32
      %mul3A_29 = arith.muli %scan3A_8, %mul3A_28 : i32
      %add3A_30 = arith.constant 1 : i32
      %add3A_31 = arith.addi %mul3A_29, %add3A_30 : i32
      %dma_start3A_32 = arith.constant 128 : i32
      %dma_start3A_33 = arith.constant 0 : i32
      %dma_start3A_34 = tpu.memref_slice %arg8[%dma_start3A_32, %dma_start3A_33] : memref<1024x64xi8, #tpu.memory_space<vmem>> -> memref<128x64xi8, #tpu.memory_space<vmem>>
      %dma_start3A_35 = arith.constant 0 : i32
      %dma_start3A_36 = tpu.memref_slice %arg7[%add3A_31, %dma_start3A_35] : memref<200x128xi32, #tpu.memory_space<vmem>> -> memref<1x128xi32, #tpu.memory_space<vmem>>
      %dma_start3A_37 = tpu.memref_squeeze %dma_start3A_36 : memref<1x128xi32, #tpu.memory_space<vmem>> -> memref<128xi32, #tpu.memory_space<vmem>>
      %dma_start3A_38 = arith.constant 0 : i32
      %dma_start3A_39 = arith.constant 0 : i32
      %dma_start3A_40 = tpu.memref_slice %arg2[%dma_start3A_38, %dma_start3A_39] : memref<1000000x64xi8, #tpu.memory_space<hbm>> -> memref<1000000x64xi8, #tpu.memory_space<hbm>>
      tpu.enqueue_indirect_dma source(%dma_start3A_40 : memref<1000000x64xi8, #tpu.memory_space<hbm>>) target(%dma_start3A_34 : memref<128x64xi8, #tpu.memory_space<vmem>>) offsets(%dma_start3A_37 : memref<128xi32, #tpu.memory_space<vmem>>) semaphore(%arg10 : memref<!tpu.dma_semaphore, #tpu.memory_space<semaphore_mem>>)
      %dma_start3A_41 = arith.constant 128 : i32
      %dma_start3A_42 = tpu.memref_slice %arg9[%dma_start3A_41] : memref<1024xf32, #tpu.memory_space<vmem>> -> memref<128xf32, #tpu.memory_space<vmem>>
      %dma_start3A_43 = arith.constant 0 : i32
      %dma_start3A_44 = tpu.memref_slice %arg7[%add3A_31, %dma_start3A_43] : memref<200x128xi32, #tpu.memory_space<vmem>> -> memref<1x128xi32, #tpu.memory_space<vmem>>
      %dma_start3A_45 = tpu.memref_squeeze %dma_start3A_44 : memref<1x128xi32, #tpu.memory_space<vmem>> -> memref<128xi32, #tpu.memory_space<vmem>>
      %dma_start3A_46 = arith.constant 0 : i32
      %dma_start3A_47 = tpu.memref_slice %arg4[%dma_start3A_46] : memref<1000000xf32, #tpu.memory_space<hbm>> -> memref<1000000xf32, #tpu.memory_space<hbm>>
      tpu.enqueue_indirect_dma source(%dma_start3A_47 : memref<1000000xf32, #tpu.memory_space<hbm>>) target(%dma_start3A_42 : memref<128xf32, #tpu.memory_space<vmem>>) offsets(%dma_start3A_45 : memref<128xi32, #tpu.memory_space<vmem>>) semaphore(%arg11 : memref<!tpu.dma_semaphore, #tpu.memory_space<semaphore_mem>>)
      %mul3A_48 = arith.constant 8 : i32
      %mul3A_49 = arith.muli %scan3A_8, %mul3A_48 : i32
      %add3A_50 = arith.constant 2 : i32
      %add3A_51 = arith.addi %mul3A_49, %add3A_50 : i32
      %dma_start3A_52 = arith.constant 256 : i32
      %dma_start3A_53 = arith.constant 0 : i32
      %dma_start3A_54 = tpu.memref_slice %arg8[%dma_start3A_52, %dma_start3A_53] : memref<1024x64xi8, #tpu.memory_space<vmem>> -> memref<128x64xi8, #tpu.memory_space<vmem>>
      %dma_start3A_55 = arith.constant 0 : i32
      %dma_start3A_56 = tpu.memref_slice %arg7[%add3A_51, %dma_start3A_55] : memref<200x128xi32, #tpu.memory_space<vmem>> -> memref<1x128xi32, #tpu.memory_space<vmem>>
      %dma_start3A_57 = tpu.memref_squeeze %dma_start3A_56 : memref<1x128xi32, #tpu.memory_space<vmem>> -> memref<128xi32, #tpu.memory_space<vmem>>
      %dma_start3A_58 = arith.constant 0 : i32
      %dma_start3A_59 = arith.constant 0 : i32
      %dma_start3A_60 = tpu.memref_slice %arg2[%dma_start3A_58, %dma_start3A_59] : memref<1000000x64xi8, #tpu.memory_space<hbm>> -> memref<1000000x64xi8, #tpu.memory_space<hbm>>
      tpu.enqueue_indirect_dma source(%dma_start3A_60 : memref<1000000x64xi8, #tpu.memory_space<hbm>>) target(%dma_start3A_54 : memref<128x64xi8, #tpu.memory_space<vmem>>) offsets(%dma_start3A_57 : memref<128xi32, #tpu.memory_space<vmem>>) semaphore(%arg10 : memref<!tpu.dma_semaphore, #tpu.memory_space<semaphore_mem>>)
      %dma_start3A_61 = arith.constant 256 : i32
      %dma_start3A_62 = tpu.memref_slice %arg9[%dma_start3A_61] : memref<1024xf32, #tpu.memory_space<vmem>> -> memref<128xf32, #tpu.memory_space<vmem>>
      %dma_start3A_63 = arith.constant 0 : i32
      %dma_start3A_64 = tpu.memref_slice %arg7[%add3A_51, %dma_start3A_63] : memref<200x128xi32, #tpu.memory_space<vmem>> -> memref<1x128xi32, #tpu.memory_space<vmem>>
      %dma_start3A_65 = tpu.memref_squeeze %dma_start3A_64 : memref<1x128xi32, #tpu.memory_space<vmem>> -> memref<128xi32, #tpu.memory_space<vmem>>
      %dma_start3A_66 = arith.constant 0 : i32
      %dma_start3A_67 = tpu.memref_slice %arg4[%dma_start3A_66] : memref<1000000xf32, #tpu.memory_space<hbm>> -> memref<1000000xf32, #tpu.memory_space<hbm>>
      tpu.enqueue_indirect_dma source(%dma_start3A_67 : memref<1000000xf32, #tpu.memory_space<hbm>>) target(%dma_start3A_62 : memref<128xf32, #tpu.memory_space<vmem>>) offsets(%dma_start3A_65 : memref<128xi32, #tpu.memory_space<vmem>>) semaphore(%arg11 : memref<!tpu.dma_semaphore, #tpu.memory_space<semaphore_mem>>)
      %mul3A_68 = arith.constant 8 : i32
      %mul3A_69 = arith.muli %scan3A_8, %mul3A_68 : i32
      %add3A_70 = arith.constant 3 : i32
      %add3A_71 = arith.addi %mul3A_69, %add3A_70 : i32
      %dma_start3A_72 = arith.constant 384 : i32
      %dma_start3A_73 = arith.constant 0 : i32
      %dma_start3A_74 = tpu.memref_slice %arg8[%dma_start3A_72, %dma_start3A_73] : memref<1024x64xi8, #tpu.memory_space<vmem>> -> memref<128x64xi8, #tpu.memory_space<vmem>>
      %dma_start3A_75 = arith.constant 0 : i32
      %dma_start3A_76 = tpu.memref_slice %arg7[%add3A_71, %dma_start3A_75] : memref<200x128xi32, #tpu.memory_space<vmem>> -> memref<1x128xi32, #tpu.memory_space<vmem>>
      %dma_start3A_77 = tpu.memref_squeeze %dma_start3A_76 : memref<1x128xi32, #tpu.memory_space<vmem>> -> memref<128xi32, #tpu.memory_space<vmem>>
      %dma_start3A_78 = arith.constant 0 : i32
      %dma_start3A_79 = arith.constant 0 : i32
      %dma_start3A_80 = tpu.memref_slice %arg2[%dma_start3A_78, %dma_start3A_79] : memref<1000000x64xi8, #tpu.memory_space<hbm>> -> memref<1000000x64xi8, #tpu.memory_space<hbm>>
      tpu.enqueue_indirect_dma source(%dma_start3A_80 : memref<1000000x64xi8, #tpu.memory_space<hbm>>) target(%dma_start3A_74 : memref<128x64xi8, #tpu.memory_space<vmem>>) offsets(%dma_start3A_77 : memref<128xi32, #tpu.memory_space<vmem>>) semaphore(%arg10 : memref<!tpu.dma_semaphore, #tpu.memory_space<semaphore_mem>>)
      %dma_start3A_81 = arith.constant 384 : i32
      %dma_start3A_82 = tpu.memref_slice %arg9[%dma_start3A_81] : memref<1024xf32, #tpu.memory_space<vmem>> -> memref<128xf32, #tpu.memory_space<vmem>>
      %dma_start3A_83 = arith.constant 0 : i32
      %dma_start3A_84 = tpu.memref_slice %arg7[%add3A_71, %dma_start3A_83] : memref<200x128xi32, #tpu.memory_space<vmem>> -> memref<1x128xi32, #tpu.memory_space<vmem>>
      %dma_start3A_85 = tpu.memref_squeeze %dma_start3A_84 : memref<1x128xi32, #tpu.memory_space<vmem>> -> memref<128xi32, #tpu.memory_space<vmem>>
      %dma_start3A_86 = arith.constant 0 : i32
      %dma_start3A_87 = tpu.memref_slice %arg4[%dma_start3A_86] : memref<1000000xf32, #tpu.memory_space<hbm>> -> memref<1000000xf32, #tpu.memory_space<hbm>>
      tpu.enqueue_indirect_dma source(%dma_start3A_87 : memref<1000000xf32, #tpu.memory_space<hbm>>) target(%dma_start3A_82 : memref<128xf32, #tpu.memory_space<vmem>>) offsets(%dma_start3A_85 : memref<128xi32, #tpu.memory_space<vmem>>) semaphore(%arg11 : memref<!tpu.dma_semaphore, #tpu.memory_space<semaphore_mem>>)
      %mul3A_88 = arith.constant 8 : i32
      %mul3A_89 = arith.muli %scan3A_8, %mul3A_88 : i32
      %add3A_90 = arith.constant 4 : i32
      %add3A_91 = arith.addi %mul3A_89, %add3A_90 : i32
      %dma_start3A_92 = arith.constant 512 : i32
      %dma_start3A_93 = arith.constant 0 : i32
      %dma_start3A_94 = tpu.memref_slice %arg8[%dma_start3A_92, %dma_start3A_93] : memref<1024x64xi8, #tpu.memory_space<vmem>> -> memref<128x64xi8, #tpu.memory_space<vmem>>
      %dma_start3A_95 = arith.constant 0 : i32
      %dma_start3A_96 = tpu.memref_slice %arg7[%add3A_91, %dma_start3A_95] : memref<200x128xi32, #tpu.memory_space<vmem>> -> memref<1x128xi32, #tpu.memory_space<vmem>>
      %dma_start3A_97 = tpu.memref_squeeze %dma_start3A_96 : memref<1x128xi32, #tpu.memory_space<vmem>> -> memref<128xi32, #tpu.memory_space<vmem>>
      %dma_start3A_98 = arith.constant 0 : i32
      %dma_start3A_99 = arith.constant 0 : i32
      %dma_start3A_100 = tpu.memref_slice %arg2[%dma_start3A_98, %dma_start3A_99] : memref<1000000x64xi8, #tpu.memory_space<hbm>> -> memref<1000000x64xi8, #tpu.memory_space<hbm>>
      tpu.enqueue_indirect_dma source(%dma_start3A_100 : memref<1000000x64xi8, #tpu.memory_space<hbm>>) target(%dma_start3A_94 : memref<128x64xi8, #tpu.memory_space<vmem>>) offsets(%dma_start3A_97 : memref<128xi32, #tpu.memory_space<vmem>>) semaphore(%arg10 : memref<!tpu.dma_semaphore, #tpu.memory_space<semaphore_mem>>)
      %dma_start3A_101 = arith.constant 512 : i32
      %dma_start3A_102 = tpu.memref_slice %arg9[%dma_start3A_101] : memref<1024xf32, #tpu.memory_space<vmem>> -> memref<128xf32, #tpu.memory_space<vmem>>
      %dma_start3A_103 = arith.constant 0 : i32
      %dma_start3A_104 = tpu.memref_slice %arg7[%add3A_91, %dma_start3A_103] : memref<200x128xi32, #tpu.memory_space<vmem>> -> memref<1x128xi32, #tpu.memory_space<vmem>>
      %dma_start3A_105 = tpu.memref_squeeze %dma_start3A_104 : memref<1x128xi32, #tpu.memory_space<vmem>> -> memref<128xi32, #tpu.memory_space<vmem>>
      %dma_start3A_106 = arith.constant 0 : i32
      %dma_start3A_107 = tpu.memref_slice %arg4[%dma_start3A_106] : memref<1000000xf32, #tpu.memory_space<hbm>> -> memref<1000000xf32, #tpu.memory_space<hbm>>
      tpu.enqueue_indirect_dma source(%dma_start3A_107 : memref<1000000xf32, #tpu.memory_space<hbm>>) target(%dma_start3A_102 : memref<128xf32, #tpu.memory_space<vmem>>) offsets(%dma_start3A_105 : memref<128xi32, #tpu.memory_space<vmem>>) semaphore(%arg11 : memref<!tpu.dma_semaphore, #tpu.memory_space<semaphore_mem>>)
      %mul3A_108 = arith.constant 8 : i32
      %mul3A_109 = arith.muli %scan3A_8, %mul3A_108 : i32
      %add3A_110 = arith.constant 5 : i32
      %add3A_111 = arith.addi %mul3A_109, %add3A_110 : i32
      %dma_start3A_112 = arith.constant 640 : i32
      %dma_start3A_113 = arith.constant 0 : i32
      %dma_start3A_114 = tpu.memref_slice %arg8[%dma_start3A_112, %dma_start3A_113] : memref<1024x64xi8, #tpu.memory_space<vmem>> -> memref<128x64xi8, #tpu.memory_space<vmem>>
      %dma_start3A_115 = arith.constant 0 : i32
      %dma_start3A_116 = tpu.memref_slice %arg7[%add3A_111, %dma_start3A_115] : memref<200x128xi32, #tpu.memory_space<vmem>> -> memref<1x128xi32, #tpu.memory_space<vmem>>
      %dma_start3A_117 = tpu.memref_squeeze %dma_start3A_116 : memref<1x128xi32, #tpu.memory_space<vmem>> -> memref<128xi32, #tpu.memory_space<vmem>>
      %dma_start3A_118 = arith.constant 0 : i32
      %dma_start3A_119 = arith.constant 0 : i32
      %dma_start3A_120 = tpu.memref_slice %arg2[%dma_start3A_118, %dma_start3A_119] : memref<1000000x64xi8, #tpu.memory_space<hbm>> -> memref<1000000x64xi8, #tpu.memory_space<hbm>>
      tpu.enqueue_indirect_dma source(%dma_start3A_120 : memref<1000000x64xi8, #tpu.memory_space<hbm>>) target(%dma_start3A_114 : memref<128x64xi8, #tpu.memory_space<vmem>>) offsets(%dma_start3A_117 : memref<128xi32, #tpu.memory_space<vmem>>) semaphore(%arg10 : memref<!tpu.dma_semaphore, #tpu.memory_space<semaphore_mem>>)
      %dma_start3A_121 = arith.constant 640 : i32
      %dma_start3A_122 = tpu.memref_slice %arg9[%dma_start3A_121] : memref<1024xf32, #tpu.memory_space<vmem>> -> memref<128xf32, #tpu.memory_space<vmem>>
      %dma_start3A_123 = arith.constant 0 : i32
      %dma_start3A_124 = tpu.memref_slice %arg7[%add3A_111, %dma_start3A_123] : memref<200x128xi32, #tpu.memory_space<vmem>> -> memref<1x128xi32, #tpu.memory_space<vmem>>
      %dma_start3A_125 = tpu.memref_squeeze %dma_start3A_124 : memref<1x128xi32, #tpu.memory_space<vmem>> -> memref<128xi32, #tpu.memory_space<vmem>>
      %dma_start3A_126 = arith.constant 0 : i32
      %dma_start3A_127 = tpu.memref_slice %arg4[%dma_start3A_126] : memref<1000000xf32, #tpu.memory_space<hbm>> -> memref<1000000xf32, #tpu.memory_space<hbm>>
      tpu.enqueue_indirect_dma source(%dma_start3A_127 : memref<1000000xf32, #tpu.memory_space<hbm>>) target(%dma_start3A_122 : memref<128xf32, #tpu.memory_space<vmem>>) offsets(%dma_start3A_125 : memref<128xi32, #tpu.memory_space<vmem>>) semaphore(%arg11 : memref<!tpu.dma_semaphore, #tpu.memory_space<semaphore_mem>>)
      %mul3A_128 = arith.constant 8 : i32
      %mul3A_129 = arith.muli %scan3A_8, %mul3A_128 : i32
      %add3A_130 = arith.constant 6 : i32
      %add3A_131 = arith.addi %mul3A_129, %add3A_130 : i32
      %dma_start3A_132 = arith.constant 768 : i32
      %dma_start3A_133 = arith.constant 0 : i32
      %dma_start3A_134 = tpu.memref_slice %arg8[%dma_start3A_132, %dma_start3A_133] : memref<1024x64xi8, #tpu.memory_space<vmem>> -> memref<128x64xi8, #tpu.memory_space<vmem>>
      %dma_start3A_135 = arith.constant 0 : i32
      %dma_start3A_136 = tpu.memref_slice %arg7[%add3A_131, %dma_start3A_135] : memref<200x128xi32, #tpu.memory_space<vmem>> -> memref<1x128xi32, #tpu.memory_space<vmem>>
      %dma_start3A_137 = tpu.memref_squeeze %dma_start3A_136 : memref<1x128xi32, #tpu.memory_space<vmem>> -> memref<128xi32, #tpu.memory_space<vmem>>
      %dma_start3A_138 = arith.constant 0 : i32
      %dma_start3A_139 = arith.constant 0 : i32
      %dma_start3A_140 = tpu.memref_slice %arg2[%dma_start3A_138, %dma_start3A_139] : memref<1000000x64xi8, #tpu.memory_space<hbm>> -> memref<1000000x64xi8, #tpu.memory_space<hbm>>
      tpu.enqueue_indirect_dma source(%dma_start3A_140 : memref<1000000x64xi8, #tpu.memory_space<hbm>>) target(%dma_start3A_134 : memref<128x64xi8, #tpu.memory_space<vmem>>) offsets(%dma_start3A_137 : memref<128xi32, #tpu.memory_space<vmem>>) semaphore(%arg10 : memref<!tpu.dma_semaphore, #tpu.memory_space<semaphore_mem>>)
      %dma_start3A_141 = arith.constant 768 : i32
      %dma_start3A_142 = tpu.memref_slice %arg9[%dma_start3A_141] : memref<1024xf32, #tpu.memory_space<vmem>> -> memref<128xf32, #tpu.memory_space<vmem>>
      %dma_start3A_143 = arith.constant 0 : i32
      %dma_start3A_144 = tpu.memref_slice %arg7[%add3A_131, %dma_start3A_143] : memref<200x128xi32, #tpu.memory_space<vmem>> -> memref<1x128xi32, #tpu.memory_space<vmem>>
      %dma_start3A_145 = tpu.memref_squeeze %dma_start3A_144 : memref<1x128xi32, #tpu.memory_space<vmem>> -> memref<128xi32, #tpu.memory_space<vmem>>
      %dma_start3A_146 = arith.constant 0 : i32
      %dma_start3A_147 = tpu.memref_slice %arg4[%dma_start3A_146] : memref<1000000xf32, #tpu.memory_space<hbm>> -> memref<1000000xf32, #tpu.memory_space<hbm>>
      tpu.enqueue_indirect_dma source(%dma_start3A_147 : memref<1000000xf32, #tpu.memory_space<hbm>>) target(%dma_start3A_142 : memref<128xf32, #tpu.memory_space<vmem>>) offsets(%dma_start3A_145 : memref<128xi32, #tpu.memory_space<vmem>>) semaphore(%arg11 : memref<!tpu.dma_semaphore, #tpu.memory_space<semaphore_mem>>)
      %mul3A_148 = arith.constant 8 : i32
      %mul3A_149 = arith.muli %scan3A_8, %mul3A_148 : i32
      %add3A_150 = arith.constant 7 : i32
      %add3A_151 = arith.addi %mul3A_149, %add3A_150 : i32
      %dma_start3A_152 = arith.constant 896 : i32
      %dma_start3A_153 = arith.constant 0 : i32
      %dma_start3A_154 = tpu.memref_slice %arg8[%dma_start3A_152, %dma_start3A_153] : memref<1024x64xi8, #tpu.memory_space<vmem>> -> memref<128x64xi8, #tpu.memory_space<vmem>>
      %dma_start3A_155 = arith.constant 0 : i32
      %dma_start3A_156 = tpu.memref_slice %arg7[%add3A_151, %dma_start3A_155] : memref<200x128xi32, #tpu.memory_space<vmem>> -> memref<1x128xi32, #tpu.memory_space<vmem>>
      %dma_start3A_157 = tpu.memref_squeeze %dma_start3A_156 : memref<1x128xi32, #tpu.memory_space<vmem>> -> memref<128xi32, #tpu.memory_space<vmem>>
      %dma_start3A_158 = arith.constant 0 : i32
      %dma_start3A_159 = arith.constant 0 : i32
      %dma_start3A_160 = tpu.memref_slice %arg2[%dma_start3A_158, %dma_start3A_159] : memref<1000000x64xi8, #tpu.memory_space<hbm>> -> memref<1000000x64xi8, #tpu.memory_space<hbm>>
      tpu.enqueue_indirect_dma source(%dma_start3A_160 : memref<1000000x64xi8, #tpu.memory_space<hbm>>) target(%dma_start3A_154 : memref<128x64xi8, #tpu.memory_space<vmem>>) offsets(%dma_start3A_157 : memref<128xi32, #tpu.memory_space<vmem>>) semaphore(%arg10 : memref<!tpu.dma_semaphore, #tpu.memory_space<semaphore_mem>>)
      %dma_start3A_161 = arith.constant 896 : i32
      %dma_start3A_162 = tpu.memref_slice %arg9[%dma_start3A_161] : memref<1024xf32, #tpu.memory_space<vmem>> -> memref<128xf32, #tpu.memory_space<vmem>>
      %dma_start3A_163 = arith.constant 0 : i32
      %dma_start3A_164 = tpu.memref_slice %arg7[%add3A_151, %dma_start3A_163] : memref<200x128xi32, #tpu.memory_space<vmem>> -> memref<1x128xi32, #tpu.memory_space<vmem>>
      %dma_start3A_165 = tpu.memref_squeeze %dma_start3A_164 : memref<1x128xi32, #tpu.memory_space<vmem>> -> memref<128xi32, #tpu.memory_space<vmem>>
      %dma_start3A_166 = arith.constant 0 : i32
      %dma_start3A_167 = tpu.memref_slice %arg4[%dma_start3A_166] : memref<1000000xf32, #tpu.memory_space<hbm>> -> memref<1000000xf32, #tpu.memory_space<hbm>>
      tpu.enqueue_indirect_dma source(%dma_start3A_167 : memref<1000000xf32, #tpu.memory_space<hbm>>) target(%dma_start3A_162 : memref<128xf32, #tpu.memory_space<vmem>>) offsets(%dma_start3A_165 : memref<128xi32, #tpu.memory_space<vmem>>) semaphore(%arg11 : memref<!tpu.dma_semaphore, #tpu.memory_space<semaphore_mem>>)
      %dma_wait3A = arith.constant 0 : i32
      %dma_wait3A_168 = arith.constant 0 : i32
      %dma_wait3A_169 = tpu.memref_slice %arg8[%dma_wait3A, %dma_wait3A_168] : memref<1024x64xi8, #tpu.memory_space<vmem>> -> memref<128x64xi8, #tpu.memory_space<vmem>>
      %dma_wait3A_170 = arith.constant 0 : i32
      %dma_wait3A_171 = tpu.memref_slice %arg7[%add3A_12, %dma_wait3A_170] : memref<200x128xi32, #tpu.memory_space<vmem>> -> memref<1x128xi32, #tpu.memory_space<vmem>>
      %dma_wait3A_172 = tpu.memref_squeeze %dma_wait3A_171 : memref<1x128xi32, #tpu.memory_space<vmem>> -> memref<128xi32, #tpu.memory_space<vmem>>
      %dma_wait3A_173 = arith.constant 0 : i32
      %dma_wait3A_174 = arith.constant 0 : i32
      %dma_wait3A_175 = tpu.memref_slice %arg2[%dma_wait3A_173, %dma_wait3A_174] : memref<1000000x64xi8, #tpu.memory_space<hbm>> -> memref<1000000x64xi8, #tpu.memory_space<hbm>>
      tpu.wait_indirect_dma semaphore(%arg10 : memref<!tpu.dma_semaphore, #tpu.memory_space<semaphore_mem>>) src(%dma_wait3A_175 : memref<1000000x64xi8, #tpu.memory_space<hbm>>) dst(%dma_wait3A_169 : memref<128x64xi8, #tpu.memory_space<vmem>>)
      %dma_wait3A_176 = arith.constant 0 : i32
      %dma_wait3A_177 = tpu.memref_slice %arg9[%dma_wait3A_176] : memref<1024xf32, #tpu.memory_space<vmem>> -> memref<128xf32, #tpu.memory_space<vmem>>
      %dma_wait3A_178 = arith.constant 0 : i32
      %dma_wait3A_179 = tpu.memref_slice %arg7[%add3A_12, %dma_wait3A_178] : memref<200x128xi32, #tpu.memory_space<vmem>> -> memref<1x128xi32, #tpu.memory_space<vmem>>
      %dma_wait3A_180 = tpu.memref_squeeze %dma_wait3A_179 : memref<1x128xi32, #tpu.memory_space<vmem>> -> memref<128xi32, #tpu.memory_space<vmem>>
      %dma_wait3A_181 = arith.constant 0 : i32
      %dma_wait3A_182 = tpu.memref_slice %arg4[%dma_wait3A_181] : memref<1000000xf32, #tpu.memory_space<hbm>> -> memref<1000000xf32, #tpu.memory_space<hbm>>
      tpu.wait_indirect_dma semaphore(%arg11 : memref<!tpu.dma_semaphore, #tpu.memory_space<semaphore_mem>>) src(%dma_wait3A_182 : memref<1000000xf32, #tpu.memory_space<hbm>>) dst(%dma_wait3A_177 : memref<128xf32, #tpu.memory_space<vmem>>)
      %dma_wait3A_183 = arith.constant 128 : i32
      %dma_wait3A_184 = arith.constant 0 : i32
      %dma_wait3A_185 = tpu.memref_slice %arg8[%dma_wait3A_183, %dma_wait3A_184] : memref<1024x64xi8, #tpu.memory_space<vmem>> -> memref<128x64xi8, #tpu.memory_space<vmem>>
      %dma_wait3A_186 = arith.constant 0 : i32
      %dma_wait3A_187 = tpu.memref_slice %arg7[%add3A_31, %dma_wait3A_186] : memref<200x128xi32, #tpu.memory_space<vmem>> -> memref<1x128xi32, #tpu.memory_space<vmem>>
      %dma_wait3A_188 = tpu.memref_squeeze %dma_wait3A_187 : memref<1x128xi32, #tpu.memory_space<vmem>> -> memref<128xi32, #tpu.memory_space<vmem>>
      %dma_wait3A_189 = arith.constant 0 : i32
      %dma_wait3A_190 = arith.constant 0 : i32
      %dma_wait3A_191 = tpu.memref_slice %arg2[%dma_wait3A_189, %dma_wait3A_190] : memref<1000000x64xi8, #tpu.memory_space<hbm>> -> memref<1000000x64xi8, #tpu.memory_space<hbm>>
      tpu.wait_indirect_dma semaphore(%arg10 : memref<!tpu.dma_semaphore, #tpu.memory_space<semaphore_mem>>) src(%dma_wait3A_191 : memref<1000000x64xi8, #tpu.memory_space<hbm>>) dst(%dma_wait3A_185 : memref<128x64xi8, #tpu.memory_space<vmem>>)
      %dma_wait3A_192 = arith.constant 128 : i32
      %dma_wait3A_193 = tpu.memref_slice %arg9[%dma_wait3A_192] : memref<1024xf32, #tpu.memory_space<vmem>> -> memref<128xf32, #tpu.memory_space<vmem>>
      %dma_wait3A_194 = arith.constant 0 : i32
      %dma_wait3A_195 = tpu.memref_slice %arg7[%add3A_31, %dma_wait3A_194] : memref<200x128xi32, #tpu.memory_space<vmem>> -> memref<1x128xi32, #tpu.memory_space<vmem>>
      %dma_wait3A_196 = tpu.memref_squeeze %dma_wait3A_195 : memref<1x128xi32, #tpu.memory_space<vmem>> -> memref<128xi32, #tpu.memory_space<vmem>>
      %dma_wait3A_197 = arith.constant 0 : i32
      %dma_wait3A_198 = tpu.memref_slice %arg4[%dma_wait3A_197] : memref<1000000xf32, #tpu.memory_space<hbm>> -> memref<1000000xf32, #tpu.memory_space<hbm>>
      tpu.wait_indirect_dma semaphore(%arg11 : memref<!tpu.dma_semaphore, #tpu.memory_space<semaphore_mem>>) src(%dma_wait3A_198 : memref<1000000xf32, #tpu.memory_space<hbm>>) dst(%dma_wait3A_193 : memref<128xf32, #tpu.memory_space<vmem>>)
      %dma_wait3A_199 = arith.constant 256 : i32
      %dma_wait3A_200 = arith.constant 0 : i32
      %dma_wait3A_201 = tpu.memref_slice %arg8[%dma_wait3A_199, %dma_wait3A_200] : memref<1024x64xi8, #tpu.memory_space<vmem>> -> memref<128x64xi8, #tpu.memory_space<vmem>>
      %dma_wait3A_202 = arith.constant 0 : i32
      %dma_wait3A_203 = tpu.memref_slice %arg7[%add3A_51, %dma_wait3A_202] : memref<200x128xi32, #tpu.memory_space<vmem>> -> memref<1x128xi32, #tpu.memory_space<vmem>>
      %dma_wait3A_204 = tpu.memref_squeeze %dma_wait3A_203 : memref<1x128xi32, #tpu.memory_space<vmem>> -> memref<128xi32, #tpu.memory_space<vmem>>
      %dma_wait3A_205 = arith.constant 0 : i32
      %dma_wait3A_206 = arith.constant 0 : i32
      %dma_wait3A_207 = tpu.memref_slice %arg2[%dma_wait3A_205, %dma_wait3A_206] : memref<1000000x64xi8, #tpu.memory_space<hbm>> -> memref<1000000x64xi8, #tpu.memory_space<hbm>>
      tpu.wait_indirect_dma semaphore(%arg10 : memref<!tpu.dma_semaphore, #tpu.memory_space<semaphore_mem>>) src(%dma_wait3A_207 : memref<1000000x64xi8, #tpu.memory_space<hbm>>) dst(%dma_wait3A_201 : memref<128x64xi8, #tpu.memory_space<vmem>>)
      %dma_wait3A_208 = arith.constant 256 : i32
      %dma_wait3A_209 = tpu.memref_slice %arg9[%dma_wait3A_208] : memref<1024xf32, #tpu.memory_space<vmem>> -> memref<128xf32, #tpu.memory_space<vmem>>
      %dma_wait3A_210 = arith.constant 0 : i32
      %dma_wait3A_211 = tpu.memref_slice %arg7[%add3A_51, %dma_wait3A_210] : memref<200x128xi32, #tpu.memory_space<vmem>> -> memref<1x128xi32, #tpu.memory_space<vmem>>
      %dma_wait3A_212 = tpu.memref_squeeze %dma_wait3A_211 : memref<1x128xi32, #tpu.memory_space<vmem>> -> memref<128xi32, #tpu.memory_space<vmem>>
      %dma_wait3A_213 = arith.constant 0 : i32
      %dma_wait3A_214 = tpu.memref_slice %arg4[%dma_wait3A_213] : memref<1000000xf32, #tpu.memory_space<hbm>> -> memref<1000000xf32, #tpu.memory_space<hbm>>
      tpu.wait_indirect_dma semaphore(%arg11 : memref<!tpu.dma_semaphore, #tpu.memory_space<semaphore_mem>>) src(%dma_wait3A_214 : memref<1000000xf32, #tpu.memory_space<hbm>>) dst(%dma_wait3A_209 : memref<128xf32, #tpu.memory_space<vmem>>)
      %dma_wait3A_215 = arith.constant 384 : i32
      %dma_wait3A_216 = arith.constant 0 : i32
      %dma_wait3A_217 = tpu.memref_slice %arg8[%dma_wait3A_215, %dma_wait3A_216] : memref<1024x64xi8, #tpu.memory_space<vmem>> -> memref<128x64xi8, #tpu.memory_space<vmem>>
      %dma_wait3A_218 = arith.constant 0 : i32
      %dma_wait3A_219 = tpu.memref_slice %arg7[%add3A_71, %dma_wait3A_218] : memref<200x128xi32, #tpu.memory_space<vmem>> -> memref<1x128xi32, #tpu.memory_space<vmem>>
      %dma_wait3A_220 = tpu.memref_squeeze %dma_wait3A_219 : memref<1x128xi32, #tpu.memory_space<vmem>> -> memref<128xi32, #tpu.memory_space<vmem>>
      %dma_wait3A_221 = arith.constant 0 : i32
      %dma_wait3A_222 = arith.constant 0 : i32
      %dma_wait3A_223 = tpu.memref_slice %arg2[%dma_wait3A_221, %dma_wait3A_222] : memref<1000000x64xi8, #tpu.memory_space<hbm>> -> memref<1000000x64xi8, #tpu.memory_space<hbm>>
      tpu.wait_indirect_dma semaphore(%arg10 : memref<!tpu.dma_semaphore, #tpu.memory_space<semaphore_mem>>) src(%dma_wait3A_223 : memref<1000000x64xi8, #tpu.memory_space<hbm>>) dst(%dma_wait3A_217 : memref<128x64xi8, #tpu.memory_space<vmem>>)
      %dma_wait3A_224 = arith.constant 384 : i32
      %dma_wait3A_225 = tpu.memref_slice %arg9[%dma_wait3A_224] : memref<1024xf32, #tpu.memory_space<vmem>> -> memref<128xf32, #tpu.memory_space<vmem>>
      %dma_wait3A_226 = arith.constant 0 : i32
      %dma_wait3A_227 = tpu.memref_slice %arg7[%add3A_71, %dma_wait3A_226] : memref<200x128xi32, #tpu.memory_space<vmem>> -> memref<1x128xi32, #tpu.memory_space<vmem>>
      %dma_wait3A_228 = tpu.memref_squeeze %dma_wait3A_227 : memref<1x128xi32, #tpu.memory_space<vmem>> -> memref<128xi32, #tpu.memory_space<vmem>>
      %dma_wait3A_229 = arith.constant 0 : i32
      %dma_wait3A_230 = tpu.memref_slice %arg4[%dma_wait3A_229] : memref<1000000xf32, #tpu.memory_space<hbm>> -> memref<1000000xf32, #tpu.memory_space<hbm>>
      tpu.wait_indirect_dma semaphore(%arg11 : memref<!tpu.dma_semaphore, #tpu.memory_space<semaphore_mem>>) src(%dma_wait3A_230 : memref<1000000xf32, #tpu.memory_space<hbm>>) dst(%dma_wait3A_225 : memref<128xf32, #tpu.memory_space<vmem>>)
      %dma_wait3A_231 = arith.constant 512 : i32
      %dma_wait3A_232 = arith.constant 0 : i32
      %dma_wait3A_233 = tpu.memref_slice %arg8[%dma_wait3A_231, %dma_wait3A_232] : memref<1024x64xi8, #tpu.memory_space<vmem>> -> memref<128x64xi8, #tpu.memory_space<vmem>>
      %dma_wait3A_234 = arith.constant 0 : i32
      %dma_wait3A_235 = tpu.memref_slice %arg7[%add3A_91, %dma_wait3A_234] : memref<200x128xi32, #tpu.memory_space<vmem>> -> memref<1x128xi32, #tpu.memory_space<vmem>>
      %dma_wait3A_236 = tpu.memref_squeeze %dma_wait3A_235 : memref<1x128xi32, #tpu.memory_space<vmem>> -> memref<128xi32, #tpu.memory_space<vmem>>
      %dma_wait3A_237 = arith.constant 0 : i32
      %dma_wait3A_238 = arith.constant 0 : i32
      %dma_wait3A_239 = tpu.memref_slice %arg2[%dma_wait3A_237, %dma_wait3A_238] : memref<1000000x64xi8, #tpu.memory_space<hbm>> -> memref<1000000x64xi8, #tpu.memory_space<hbm>>
      tpu.wait_indirect_dma semaphore(%arg10 : memref<!tpu.dma_semaphore, #tpu.memory_space<semaphore_mem>>) src(%dma_wait3A_239 : memref<1000000x64xi8, #tpu.memory_space<hbm>>) dst(%dma_wait3A_233 : memref<128x64xi8, #tpu.memory_space<vmem>>)
      %dma_wait3A_240 = arith.constant 512 : i32
      %dma_wait3A_241 = tpu.memref_slice %arg9[%dma_wait3A_240] : memref<1024xf32, #tpu.memory_space<vmem>> -> memref<128xf32, #tpu.memory_space<vmem>>
      %dma_wait3A_242 = arith.constant 0 : i32
      %dma_wait3A_243 = tpu.memref_slice %arg7[%add3A_91, %dma_wait3A_242] : memref<200x128xi32, #tpu.memory_space<vmem>> -> memref<1x128xi32, #tpu.memory_space<vmem>>
      %dma_wait3A_244 = tpu.memref_squeeze %dma_wait3A_243 : memref<1x128xi32, #tpu.memory_space<vmem>> -> memref<128xi32, #tpu.memory_space<vmem>>
      %dma_wait3A_245 = arith.constant 0 : i32
      %dma_wait3A_246 = tpu.memref_slice %arg4[%dma_wait3A_245] : memref<1000000xf32, #tpu.memory_space<hbm>> -> memref<1000000xf32, #tpu.memory_space<hbm>>
      tpu.wait_indirect_dma semaphore(%arg11 : memref<!tpu.dma_semaphore, #tpu.memory_space<semaphore_mem>>) src(%dma_wait3A_246 : memref<1000000xf32, #tpu.memory_space<hbm>>) dst(%dma_wait3A_241 : memref<128xf32, #tpu.memory_space<vmem>>)
      %dma_wait3A_247 = arith.constant 640 : i32
      %dma_wait3A_248 = arith.constant 0 : i32
      %dma_wait3A_249 = tpu.memref_slice %arg8[%dma_wait3A_247, %dma_wait3A_248] : memref<1024x64xi8, #tpu.memory_space<vmem>> -> memref<128x64xi8, #tpu.memory_space<vmem>>
      %dma_wait3A_250 = arith.constant 0 : i32
      %dma_wait3A_251 = tpu.memref_slice %arg7[%add3A_111, %dma_wait3A_250] : memref<200x128xi32, #tpu.memory_space<vmem>> -> memref<1x128xi32, #tpu.memory_space<vmem>>
      %dma_wait3A_252 = tpu.memref_squeeze %dma_wait3A_251 : memref<1x128xi32, #tpu.memory_space<vmem>> -> memref<128xi32, #tpu.memory_space<vmem>>
      %dma_wait3A_253 = arith.constant 0 : i32
      %dma_wait3A_254 = arith.constant 0 : i32
      %dma_wait3A_255 = tpu.memref_slice %arg2[%dma_wait3A_253, %dma_wait3A_254] : memref<1000000x64xi8, #tpu.memory_space<hbm>> -> memref<1000000x64xi8, #tpu.memory_space<hbm>>
      tpu.wait_indirect_dma semaphore(%arg10 : memref<!tpu.dma_semaphore, #tpu.memory_space<semaphore_mem>>) src(%dma_wait3A_255 : memref<1000000x64xi8, #tpu.memory_space<hbm>>) dst(%dma_wait3A_249 : memref<128x64xi8, #tpu.memory_space<vmem>>)
      %dma_wait3A_256 = arith.constant 640 : i32
      %dma_wait3A_257 = tpu.memref_slice %arg9[%dma_wait3A_256] : memref<1024xf32, #tpu.memory_space<vmem>> -> memref<128xf32, #tpu.memory_space<vmem>>
      %dma_wait3A_258 = arith.constant 0 : i32
      %dma_wait3A_259 = tpu.memref_slice %arg7[%add3A_111, %dma_wait3A_258] : memref<200x128xi32, #tpu.memory_space<vmem>> -> memref<1x128xi32, #tpu.memory_space<vmem>>
      %dma_wait3A_260 = tpu.memref_squeeze %dma_wait3A_259 : memref<1x128xi32, #tpu.memory_space<vmem>> -> memref<128xi32, #tpu.memory_space<vmem>>
      %dma_wait3A_261 = arith.constant 0 : i32
      %dma_wait3A_262 = tpu.memref_slice %arg4[%dma_wait3A_261] : memref<1000000xf32, #tpu.memory_space<hbm>> -> memref<1000000xf32, #tpu.memory_space<hbm>>
      tpu.wait_indirect_dma semaphore(%arg11 : memref<!tpu.dma_semaphore, #tpu.memory_space<semaphore_mem>>) src(%dma_wait3A_262 : memref<1000000xf32, #tpu.memory_space<hbm>>) dst(%dma_wait3A_257 : memref<128xf32, #tpu.memory_space<vmem>>)
      %dma_wait3A_263 = arith.constant 768 : i32
      %dma_wait3A_264 = arith.constant 0 : i32
      %dma_wait3A_265 = tpu.memref_slice %arg8[%dma_wait3A_263, %dma_wait3A_264] : memref<1024x64xi8, #tpu.memory_space<vmem>> -> memref<128x64xi8, #tpu.memory_space<vmem>>
      %dma_wait3A_266 = arith.constant 0 : i32
      %dma_wait3A_267 = tpu.memref_slice %arg7[%add3A_131, %dma_wait3A_266] : memref<200x128xi32, #tpu.memory_space<vmem>> -> memref<1x128xi32, #tpu.memory_space<vmem>>
      %dma_wait3A_268 = tpu.memref_squeeze %dma_wait3A_267 : memref<1x128xi32, #tpu.memory_space<vmem>> -> memref<128xi32, #tpu.memory_space<vmem>>
      %dma_wait3A_269 = arith.constant 0 : i32
      %dma_wait3A_270 = arith.constant 0 : i32
      %dma_wait3A_271 = tpu.memref_slice %arg2[%dma_wait3A_269, %dma_wait3A_270] : memref<1000000x64xi8, #tpu.memory_space<hbm>> -> memref<1000000x64xi8, #tpu.memory_space<hbm>>
      tpu.wait_indirect_dma semaphore(%arg10 : memref<!tpu.dma_semaphore, #tpu.memory_space<semaphore_mem>>) src(%dma_wait3A_271 : memref<1000000x64xi8, #tpu.memory_space<hbm>>) dst(%dma_wait3A_265 : memref<128x64xi8, #tpu.memory_space<vmem>>)
      %dma_wait3A_272 = arith.constant 768 : i32
      %dma_wait3A_273 = tpu.memref_slice %arg9[%dma_wait3A_272] : memref<1024xf32, #tpu.memory_space<vmem>> -> memref<128xf32, #tpu.memory_space<vmem>>
      %dma_wait3A_274 = arith.constant 0 : i32
      %dma_wait3A_275 = tpu.memref_slice %arg7[%add3A_131, %dma_wait3A_274] : memref<200x128xi32, #tpu.memory_space<vmem>> -> memref<1x128xi32, #tpu.memory_space<vmem>>
      %dma_wait3A_276 = tpu.memref_squeeze %dma_wait3A_275 : memref<1x128xi32, #tpu.memory_space<vmem>> -> memref<128xi32, #tpu.memory_space<vmem>>
      %dma_wait3A_277 = arith.constant 0 : i32
      %dma_wait3A_278 = tpu.memref_slice %arg4[%dma_wait3A_277] : memref<1000000xf32, #tpu.memory_space<hbm>> -> memref<1000000xf32, #tpu.memory_space<hbm>>
      tpu.wait_indirect_dma semaphore(%arg11 : memref<!tpu.dma_semaphore, #tpu.memory_space<semaphore_mem>>) src(%dma_wait3A_278 : memref<1000000xf32, #tpu.memory_space<hbm>>) dst(%dma_wait3A_273 : memref<128xf32, #tpu.memory_space<vmem>>)
      %dma_wait3A_279 = arith.constant 896 : i32
      %dma_wait3A_280 = arith.constant 0 : i32
      %dma_wait3A_281 = tpu.memref_slice %arg8[%dma_wait3A_279, %dma_wait3A_280] : memref<1024x64xi8, #tpu.memory_space<vmem>> -> memref<128x64xi8, #tpu.memory_space<vmem>>
      %dma_wait3A_282 = arith.constant 0 : i32
      %dma_wait3A_283 = tpu.memref_slice %arg7[%add3A_151, %dma_wait3A_282] : memref<200x128xi32, #tpu.memory_space<vmem>> -> memref<1x128xi32, #tpu.memory_space<vmem>>
      %dma_wait3A_284 = tpu.memref_squeeze %dma_wait3A_283 : memref<1x128xi32, #tpu.memory_space<vmem>> -> memref<128xi32, #tpu.memory_space<vmem>>
      %dma_wait3A_285 = arith.constant 0 : i32
      %dma_wait3A_286 = arith.constant 0 : i32
      %dma_wait3A_287 = tpu.memref_slice %arg2[%dma_wait3A_285, %dma_wait3A_286] : memref<1000000x64xi8, #tpu.memory_space<hbm>> -> memref<1000000x64xi8, #tpu.memory_space<hbm>>
      tpu.wait_indirect_dma semaphore(%arg10 : memref<!tpu.dma_semaphore, #tpu.memory_space<semaphore_mem>>) src(%dma_wait3A_287 : memref<1000000x64xi8, #tpu.memory_space<hbm>>) dst(%dma_wait3A_281 : memref<128x64xi8, #tpu.memory_space<vmem>>)
      %dma_wait3A_288 = arith.constant 896 : i32
      %dma_wait3A_289 = tpu.memref_slice %arg9[%dma_wait3A_288] : memref<1024xf32, #tpu.memory_space<vmem>> -> memref<128xf32, #tpu.memory_space<vmem>>
      %dma_wait3A_290 = arith.constant 0 : i32
      %dma_wait3A_291 = tpu.memref_slice %arg7[%add3A_151, %dma_wait3A_290] : memref<200x128xi32, #tpu.memory_space<vmem>> -> memref<1x128xi32, #tpu.memory_space<vmem>>
      %dma_wait3A_292 = tpu.memref_squeeze %dma_wait3A_291 : memref<1x128xi32, #tpu.memory_space<vmem>> -> memref<128xi32, #tpu.memory_space<vmem>>
      %dma_wait3A_293 = arith.constant 0 : i32
      %dma_wait3A_294 = tpu.memref_slice %arg4[%dma_wait3A_293] : memref<1000000xf32, #tpu.memory_space<hbm>> -> memref<1000000xf32, #tpu.memory_space<hbm>>
      tpu.wait_indirect_dma semaphore(%arg11 : memref<!tpu.dma_semaphore, #tpu.memory_space<semaphore_mem>>) src(%dma_wait3A_294 : memref<1000000xf32, #tpu.memory_space<hbm>>) dst(%dma_wait3A_289 : memref<128xf32, #tpu.memory_space<vmem>>)
      %mul3A_295 = arith.constant 8 : i32
      %mul3A_296 = arith.muli %scan3A_8, %mul3A_295 : i32
      %add3A_297 = arith.addi %mul3A_2, %mul3A_296 : i32
      %mul3A_298 = arith.constant 128 : i32
      %mul3A_299 = arith.muli %add3A_297, %mul3A_298 : i32
      "tpu.region"() ({
        %run_scoped3A = tpu.sem_alloc : memref<!tpu.dma_semaphore, #tpu.memory_space<semaphore_mem>>
        %dma_start3A_300 = arith.constant 0 : i32
        %dma_start3A_301 = tpu.memref_slice %arg5[%mul3A_299, %dma_start3A_300] : memref<819200x64xi8, #tpu.memory_space<hbm>> -> memref<1024x64xi8, #tpu.memory_space<hbm>>
        %dma_start3A_302 = arith.constant 0 : i32
        %dma_start3A_303 = tpu.memref_slice %arg5[%mul3A_299, %dma_start3A_302] : memref<819200x64xi8, #tpu.memory_space<hbm>> -> memref<1024x64xi8, #tpu.memory_space<hbm>>
        tpu.enqueue_dma source(%arg8 : memref<1024x64xi8, #tpu.memory_space<vmem>>) target(%dma_start3A_303 : memref<1024x64xi8, #tpu.memory_space<hbm>>) target_semaphore(%run_scoped3A : memref<!tpu.dma_semaphore, #tpu.memory_space<semaphore_mem>>)
        %dma_wait3A_304 = arith.constant 0 : i32
        %dma_wait3A_305 = tpu.memref_slice %arg5[%mul3A_299, %dma_wait3A_304] : memref<819200x64xi8, #tpu.memory_space<hbm>> -> memref<1024x64xi8, #tpu.memory_space<hbm>>
        %dma_wait3A_306 = arith.constant 0 : i32
        %dma_wait3A_307 = tpu.memref_slice %arg5[%mul3A_299, %dma_wait3A_306] : memref<819200x64xi8, #tpu.memory_space<hbm>> -> memref<1024x64xi8, #tpu.memory_space<hbm>>
        tpu.wait_dma2 semaphore(%run_scoped3A : memref<!tpu.dma_semaphore, #tpu.memory_space<semaphore_mem>>) src(%arg8 : memref<1024x64xi8, #tpu.memory_space<vmem>>) dst(%dma_wait3A_307 : memref<1024x64xi8, #tpu.memory_space<hbm>>)
        tpu.yield
      }) : () -> ()
      "tpu.region"() ({
        %run_scoped3A = tpu.sem_alloc : memref<!tpu.dma_semaphore, #tpu.memory_space<semaphore_mem>>
        %dma_start3A_300 = tpu.memref_slice %arg6[%mul3A_299] : memref<819200xf32, #tpu.memory_space<hbm>> -> memref<1024xf32, #tpu.memory_space<hbm>>
        %dma_start3A_301 = tpu.memref_slice %arg6[%mul3A_299] : memref<819200xf32, #tpu.memory_space<hbm>> -> memref<1024xf32, #tpu.memory_space<hbm>>
        tpu.enqueue_dma source(%arg9 : memref<1024xf32, #tpu.memory_space<vmem>>) target(%dma_start3A_301 : memref<1024xf32, #tpu.memory_space<hbm>>) target_semaphore(%run_scoped3A : memref<!tpu.dma_semaphore, #tpu.memory_space<semaphore_mem>>)
        %dma_wait3A_302 = tpu.memref_slice %arg6[%mul3A_299] : memref<819200xf32, #tpu.memory_space<hbm>> -> memref<1024xf32, #tpu.memory_space<hbm>>
        %dma_wait3A_303 = tpu.memref_slice %arg6[%mul3A_299] : memref<819200xf32, #tpu.memory_space<hbm>> -> memref<1024xf32, #tpu.memory_space<hbm>>
        tpu.wait_dma2 semaphore(%run_scoped3A : memref<!tpu.dma_semaphore, #tpu.memory_space<semaphore_mem>>) src(%arg9 : memref<1024xf32, #tpu.memory_space<vmem>>) dst(%dma_wait3A_303 : memref<1024xf32, #tpu.memory_space<hbm>>)
        tpu.yield
      }) : () -> ()
    }
    %scan3A_7 = arith.constant 25 : i32
    return
  }
}

module attributes {stable_mosaic.version = 14 : i64} {
  func.func @_tc_dequant_body(%arg0: i32, %arg1: memref<512x128xi8, #tpu.memory_space<vmem>>, %arg2: memref<512x2xf32, #tpu.memory_space<vmem>>, %arg3: memref<512x128xf32, #tpu.memory_space<vmem>>) attributes {dimension_semantics = [#tpu.dimension_semantics<arbitrary>], iteration_bounds = array<i64: 800>, scalar_prefetch = 0 : i64, scratch_operands = 0 : i64, tpu.core_type = #tpu.core_type<tc>, window_params = [{transform_indices = @transform_0, window_bounds = array<i64: 512, 128>}, {transform_indices = @transform_1, window_bounds = array<i64: 512, 2>}, {transform_indices = @transform_2, window_bounds = array<i64: 512, 128>}]} {
    %get3A = arith.constant 0 : index
    %get3A_0 = arith.constant 0 : index
    %get3A_1 = vector.load %arg1[%get3A, %get3A_0] : memref<512x128xi8, #tpu.memory_space<vmem>>, vector<512x128xi8>
    %convert_element_type3A = arith.sitofp %get3A_1 : vector<512x128xi8> to vector<512x128xf32>
    %get3A_2 = arith.constant 0 : index
    %get3A_3 = arith.constant 0 : index
    %get3A_4 = vector.load %arg2[%get3A_2, %get3A_3] : memref<512x2xf32, #tpu.memory_space<vmem>>, vector<512x2xf32>
    %iota3A = tpu.iota {dimensions = array<i32: 0>} : vector<2x128xi32>
    %iota3A_5 = tpu.iota {dimensions = array<i32: 1>} : vector<2x128xi32>
    %jit3A = arith.constant 64 : i32
    %div3A = vector.broadcast %jit3A : i32 to vector<2x128xi32>
    %div3A_6 = arith.divsi %iota3A_5, %div3A : vector<2x128xi32>
    %sign3A = arith.constant 0 : i32
    %sign3A_7 = vector.broadcast %sign3A : i32 to vector<2x128xi32>
    %sign3A_8 = arith.cmpi sgt, %iota3A_5, %sign3A_7 : vector<2x128xi32>
    %sign3A_9 = arith.extui %sign3A_8 : vector<2x128xi1> to vector<2x128xi32>
    %sign3A_10 = arith.constant 0 : i32
    %sign3A_11 = vector.broadcast %sign3A_10 : i32 to vector<2x128xi32>
    %sign3A_12 = arith.cmpi slt, %iota3A_5, %sign3A_11 : vector<2x128xi32>
    %sign3A_13 = arith.extui %sign3A_12 : vector<2x128xi1> to vector<2x128xi32>
    %sign3A_14 = arith.subi %sign3A_9, %sign3A_13 : vector<2x128xi32>
    %sign3A_15 = arith.constant 0 : i32
    %sign3A_16 = arith.cmpi sgt, %jit3A, %sign3A_15 : i32
    %sign3A_17 = arith.extui %sign3A_16 : i1 to i32
    %sign3A_18 = arith.constant 0 : i32
    %sign3A_19 = arith.cmpi slt, %jit3A, %sign3A_18 : i32
    %sign3A_20 = arith.extui %sign3A_19 : i1 to i32
    %sign3A_21 = arith.subi %sign3A_17, %sign3A_20 : i32
    %ne3A = vector.broadcast %sign3A_21 : i32 to vector<2x128xi32>
    %ne3A_22 = arith.cmpi ne, %sign3A_14, %ne3A : vector<2x128xi32>
    %rem3A = vector.broadcast %jit3A : i32 to vector<2x128xi32>
    %rem3A_23 = arith.remsi %iota3A_5, %rem3A : vector<2x128xi32>
    %ne3A_24 = arith.constant 0 : i32
    %ne3A_25 = vector.broadcast %ne3A_24 : i32 to vector<2x128xi32>
    %ne3A_26 = arith.cmpi ne, %rem3A_23, %ne3A_25 : vector<2x128xi32>
    %and3A = arith.andi %ne3A_22, %ne3A_26 : vector<2x128xi1>
    %sub3A = arith.constant 1 : i32
    %sub3A_27 = vector.broadcast %sub3A : i32 to vector<2x128xi32>
    %sub3A_28 = arith.subi %div3A_6, %sub3A_27 : vector<2x128xi32>
    %select_n3A = arith.select %and3A, %sub3A_28, %div3A_6 : vector<2x128xi1>, vector<2x128xi32>
    %eq3A = arith.cmpi eq, %select_n3A, %iota3A : vector<2x128xi32>
    %convert_element_type3A_29 = arith.extui %eq3A : vector<2x128xi1> to vector<2x128xi32>
    %convert_element_type3A_30 = arith.sitofp %convert_element_type3A_29 : vector<2x128xi32> to vector<2x128xf32>
    %dot_general3A = arith.constant dense<0.000000e+00> : vector<512x128xf32>
    %dot_general3A_31 = tpu.matmul %get3A_4, %convert_element_type3A_30, %dot_general3A {dimension_numbers = #tpu.dot_dimension_numbers<[1], [0], [0], [1], [0, 0, 1, 1], [], []>, transpose_lhs_hint = false} : vector<512x2xf32>, vector<2x128xf32>, vector<512x128xf32> -> vector<512x128xf32>
    %mul3A = arith.mulf %convert_element_type3A, %dot_general3A_31 : vector<512x128xf32>
    %swap3A = arith.constant 0 : index
    %swap3A_32 = arith.constant 0 : index
    %swap3A_33 = vector.load %arg3[%swap3A, %swap3A_32] : memref<512x128xf32, #tpu.memory_space<vmem>>, vector<512x128xf32>
    tpu.vector_store %arg3[%swap3A, %swap3A_32], %mul3A {strides = array<i32>} : memref<512x128xf32, #tpu.memory_space<vmem>>, vector<512x128xf32>,
    return
  }
  func.func @transform_0(%arg0: i32) -> (i32, i32) {
    %c0_i32 = arith.constant 0 : i32
    %c0_i32_0 = arith.constant 0 : i32
    return %arg0, %c0_i32 : i32, i32
  }
  func.func @transform_1(%arg0: i32) -> (i32, i32) {
    %c0_i32 = arith.constant 0 : i32
    %c0_i32_0 = arith.constant 0 : i32
    return %arg0, %c0_i32 : i32, i32
  }
  func.func @transform_2(%arg0: i32) -> (i32, i32) {
    %c0_i32 = arith.constant 0 : i32
    %c0_i32_0 = arith.constant 0 : i32
    return %arg0, %c0_i32 : i32, i32
  }
}

</mosaic_0001>

<sc_bundles>
// kernel: kernel.4.cloned.1.call-start
scs
__scs_entry_jumppad:
0x0: {  	(pc) =	sbr.rel $0x88, $3  }
0x1: {  	(tag) =	ssettag $0x0;
	lr =	simm.s32 $0x1  }
0x2: {  	[smem:$0x3F9E] =	sst lr;
	_ =	strace $0xD0000000  }
0x3: {  	_ = 	snop  }
0x4: {  	_ = 	snop  }
0x5: {  	_ = 	snop  }
0x6: {  	_ = 	snop  }
0x7: {  	_ = 	snop  }
__scs_overlays_trampoline_lowered:
0x8: {  	[smem:$0x3FAD] =	sst s0  }
0x9: {  	[smem:$0x3FAE] =	sst s1  }
0xa: {  	[smem:$0x3FAF] =	sst s2  }
0xb: {  	[smem:$0x3FB0] =	sst s3  }
0xc: {  	[smem:$0x3FB1] =	sst s4  }
0xd: {  	[smem:$0x3FB2] =	sst s5  }
0xe: {  	[smem:$0x3FB3] =	sst s6  }
0xf: {  	[smem:$0x3FB4] =	sst s7  }
0x10: {  	[smem:$0x3FB5] =	sst s8  }
0x11: {  	[smem:$0x3FB6] =	sst s9;
	s0 =	simm.s32 @!p0 $0x0  }
0x12: {  	s1 =	sld [smem:$0x3F9C];
	s0 =	simm.s32 @p0 $0x1  }
0x13: {  	[smem:$0x3FB7] =	sst s0;
	s0 =	simm.s32 @!p1 $0x0  }
0x14: {  	s2 =	sld [smem:$0x3F9B];
	s0 =	simm.s32 @p1 $0x1  }
0x15: {  	[smem:$0x3FB8] =	sst s0;
	s0 =	simm.s32 @!p2 $0x0  }
0x16: {  	s3 =	sld [smem:$0x3FDB];
	s0 =	simm.s32 @p2 $0x1  }
0x17: {  	s4 =	simm.s32 $0x1BF5;
	[smem:$0x3FBA] =	sst s0  }
0x18: {  	s0 =	sld [smem:$0x3F9D];
	_ =	swait.ge [sflag:s4], $0x0  }
0x19: {  	s7 =	sld [smem:$0x3F9E]  }
0x1a: {  	s8 =	sadd.s32 $0xFFFFE003, lr  }
0x1b: {  	s9 =	sadd.s32 $0xFFFFFEF7, lr;
	s5 =	simm.s32 $0xFFFFFFFF;
	p2 =	slt.u32 s8, $0xFFFFF086  }
0x1c: {  	p1 =	slt.u32 s9, $0xF7A;
	s5 =	simm.s32 @!p2 $0x0  }
0x1d: {  	s5 =	simm.s32 @p1 $0x1;
	p0 =	seq.s32 s7, s2  }
0x1e: {  	s7 =	smul.u32 @!p0 $0xF7A, s2;
	p2 =	seq.s32 @!p0 s5, $0x0  }
0x1f: {  	s9 =	smul.u32 $0xF7A, s1;
	s8 =	simm.s32 @!p0 $0x1BF5;
	p2 =	por !p2, p0  }
0x20: {  	[sflag:s8] =	ssyncset.s32 @!p0 $0xFFFFF086;
	s6 =	sadd.s32 @!p0 s3, s7;
	s7 =	simm.s32 @!p0 $0x108  }
0x21: {  	s3 =	sadd.s32 s3, s9;
	s6 =	sadd.s32 @!p0 $0x88, s6;
	s7 =	simm.s32 @p2 $0x1082  }
0x22: {  	[simem:s7], [sflag:s8] =	dma.local @!p0 [hbm:s6], $0xF7A  }
0x23: {  	s9 =	sor.u32 $0xD0000000, s2;
	s6 =	simm.s32 $0x108;
	_ =	swait.ge @!p0 [sflag:s8], $0x0  }
0x24: {  	s3 =	sadd.s32 $0x88, s3;
	s6 =	simm.s32 @!p1 $0x1082;
	[sflag:s4] =	ssyncset.s32 $0xFFFFF086  }
0x25: {  	[simem:s6], [sflag:s4] =	dma.local [hbm:s3], $0xF7A  }
0x26: {  	[smem:$0x3F9E] =	sst s1;
	(tag) =	ssettag s2;
	_ =	strace s9  }
0x27: {  	s1 =	sld [smem:$0x3FAE]  }
0x28: {  	s2 =	sld [smem:$0x3FAF]  }
0x29: {  	s4 =	sld [smem:$0x3FB1]  }
0x2a: {  	p0 =	seq.s32 s5, $0x0;
	s5 =	sld [smem:$0x3FB2]  }
0x2b: {  	s6 =	sld [smem:$0x3FB3]  }
0x2c: {  	s7 =	sld [smem:$0x3FB4]  }
0x2d: {  	s3 =	simm.s32 $0x108;
	s8 =	sld [smem:$0x3FB5]  }
0x2e: {  	s3 =	simm.s32 @!p0 $0x1082;
	s9 =	sld [smem:$0x3FB6]  }
0x2f: {  	lr =	sadd.s32 s0, s3;
	s0 =	sld [smem:$0x3FAD]  }
0x30: {  	s3 =	sld [smem:$0x3FB0]  }
0x31: {  	[smem:$0x3FB9] =	sst s10  }
0x32: {  	s10 =	sld [smem:$0x3FB7];
	_ =	sdelay $0x3  }
0x33: {  	p0 =	seq.s32 s10, $0x1;
	s10 =	sld [smem:$0x3FB9];
	_ =	sdelay $0x3  }
0x34: {  	[smem:$0x3FB9] =	sst s10  }
0x35: {  	s10 =	sld [smem:$0x3FB8];
	_ =	sdelay $0x3  }
0x36: {  	p1 =	seq.s32 s10, $0x1;
	s10 =	sld [smem:$0x3FB9];
	_ =	sdelay $0x3  }
0x37: {  	[smem:$0x3FB9] =	sst s10  }
0x38: {  	s10 =	sld [smem:$0x3FBA]  }
0x39: {  	_ = 	snop;
	(pc) =	sbr.ind lr, $3  }
0x3a: {  	_ = 	snop  }
0x3b: {  	_ = 	snop  }
0x3c: {  	p2 =	seq.s32 s10, $0x1;
	s10 =	sld [smem:$0x3FB9]  }
0x3d: {  	_ =	shalt  }
0x3e: {  	_ =	shalt  }
0x3f: {  	_ =	shalt  }
0x40: {  	_ =	shalt  }
0x41: {  	_ =	shalt  }
0x42: {  	_ =	shalt  }
0x43: {  	_ =	shalt  }
0x44: {  	_ =	shalt  }
0x45: {  	_ =	shalt  }
0x46: {  	_ =	shalt  }
0x47: {  	_ =	shalt  }
0x48: {  	_ =	shalt  }
0x49: {  	_ =	shalt  }
0x4a: {  	_ =	shalt  }
0x4b: {  	_ =	shalt  }
0x4c: {  	_ =	shalt  }
0x4d: {  	_ =	shalt  }
0x4e: {  	_ =	shalt  }
0x4f: {  	_ =	shalt  }
0x50: {  	_ =	shalt  }
0x51: {  	_ =	shalt  }
0x52: {  	_ =	shalt  }
0x53: {  	_ =	shalt  }
0x54: {  	_ =	shalt  }
0x55: {  	_ =	shalt  }
0x56: {  	_ =	shalt  }
0x57: {  	_ =	shalt  }
0x58: {  	_ =	shalt  }
0x59: {  	_ =	shalt  }
0x5a: {  	_ =	shalt  }
0x5b: {  	_ =	shalt  }
0x5c: {  	_ =	shalt  }
0x5d: {  	_ =	shalt  }
0x5e: {  	_ =	shalt  }
0x5f: {  	_ =	shalt  }
0x60: {  	_ =	shalt  }
0x61: {  	_ =	shalt  }
0x62: {  	_ =	shalt  }
0x63: {  	_ =	shalt  }
0x64: {  	_ =	shalt  }
0x65: {  	_ =	shalt  }
0x66: {  	_ =	shalt  }
0x67: {  	_ =	shalt  }
0x68: {  	_ =	shalt  }
0x69: {  	_ =	shalt  }
0x6a: {  	_ =	shalt  }
0x6b: {  	_ =	shalt  }
0x6c: {  	_ =	shalt  }
0x6d: {  	_ =	shalt  }
0x6e: {  	_ =	shalt  }
0x6f: {  	_ =	shalt  }
0x70: {  	_ =	shalt  }
0x71: {  	_ =	shalt  }
0x72: {  	_ =	shalt  }
0x73: {  	_ =	shalt  }
0x74: {  	_ =	shalt  }
0x75: {  	_ =	shalt  }
0x76: {  	_ =	shalt  }
0x77: {  	_ =	shalt  }
0x78: {  	_ =	shalt  }
0x79: {  	_ =	shalt  }
0x7a: {  	_ =	shalt  }
0x7b: {  	_ =	shalt  }
0x7c: {  	_ =	shalt  }
0x7d: {  	_ =	shalt  }
0x7e: {  	_ =	shalt  }
0x7f: {  	_ =	shalt  }
0x80: {  	_ =	shalt  }
0x81: {  	_ =	shalt  }
0x82: {  	_ =	shalt  }
0x83: {  	_ =	shalt  }
0x84: {  	_ =	shalt  }
0x85: {  	_ =	shalt  }
0x86: {  	_ =	shalt  }
0x87: {  	_ =	shalt  }
.Lfunc_end0:
.L_simem_size_0:
called_computation.2_lowered:
.L_overlay_start_0:
0x88: {  	s2 =	sld [smem:$0x3FD9]  }
0x89: {  	s3 =	sld [smem:$0x3FFE];
	_ =	sdelay $0x1  }
0x8a: {  	s1 =	srdreg.scid  }
0x8b: {  	s0 =	sand.u32 $0x1, s1  }
0x8c: {  	s17 =	sshll.u32 s0, $0xA;
	s2 =	sadd.s32 s3, s2  }
0x8d: {  	s2 =	sadd.s32 s2, s17  }
0x8e: {  	[smem:$0x3FC5] =	sst s2  }
0x8f: {  	_ = 	snop  }
0x90: {  	s2 =	sld [smem:$0x3FC7];
	(tm) =	ssettm $0x1  }
0x91: {  	s18 =	sld [smem:$0x3FFB];
	_ =	sdelay $0x3  }
0x92: {  	_ =	strace s18  }
0x93: {  	s3 =	sld [smem:$0x3FFC];
	_ =	sdelay $0x3  }
0x94: {  	_ =	strace s3  }
0x95: {  	s3 =	sld [smem:$0x3FFD];
	_ =	sdelay $0x3  }
0x96: {  	_ =	strace s3  }
0x97: {  	_ =	strace $0x8FFFFFFF  }
0x98: {  	s19 =	sld [smem:$0x3FDB];
	_ =	sdelay $0x1  }
0x99: {  	s4 =	simm.s32 $_scs_section_size  }
0x9a: {  	s5 =	simm.s32 $_size__tile_overlayer_lowered;
	s6 =	simm.s32 $_tile_overlayer_lowered  }
0x9b: {  	s22 =	simm.s32 $0x1BFF;
	s21 =	sshll.u32 s6, $0x1;
	s3 =	sadd.s32 s4, s19  }
0x9c: {  	s7 =	simm.s32 $0x0;
	s20 =	sshll.u32 s5, $0x1;
	s5 =	sadd.s32 s21, s3  }
0x9d: {  	[timem:s7], [sflag:s22] =	dma.local [hbm:s5], s20  }
0x9e: {  	_ =	swait.ge [sflag:s22], s20  }
0x9f: {  	s4 =	ssub.s32 $0x0, s20;
	[sflag:s22] =	ssyncset.done $0x0  }
0xa0: {  	[sflag:s22] =	ssyncadd.s32 s4;
	_ =	sdelay $0x1  }
0xa1: {  	s23 =	simm.s32 $0x1B8B  }
0xa2: {  	_ =	swait.ge [sflag:s23], $0x1  }
0xa3: {  	[sflag:s23] =	ssyncset.done $0x0  }
0xa4: {  	s25 =	simm.s32 $0x1B8E;
	s24 =	sld [smem:$0x3FFE];
	[sflag:s23] =	ssyncadd.s32 $0xFFFFFFFF  }
0xa5: {  	s26 =	simm.s32 $execute0_lowered;
	[smem:$0x3FD2] =	sst s25  }
0xa6: {  	s5 =	sshll.u32 s26, $0x1;
	_ =	strace $0x80000049;
	[dreg:$0x1] =	wrdreg $0xFFFFFFFF  }
0xa7: {  	s28 =	simm.s32 $_size_execute0_lowered;
	s3 =	sadd.s32 s3, s5;
	[dreg:$0x0] =	wrdreg $0x0  }
0xa8: {  	s5 =	sshll.u32 s28, $0x1;
	[dreg:$0x2] =	wrdreg s3  }
0xa9: {  	[dreg:$0x3] =	wrdreg s5  }
0xaa: {  	[dreg:$0x4] =	wrdreg $0xC0  }
0xab: {  	_ =	task [dreg:s7], $0x5FFFF  }
0xac: {  	[dreg:$0x1] =	wrdreg $0xFFFFFFFF  }
0xad: {  	[dreg:$0x0] =	wrdreg $0x60  }
0xae: {  	[dreg:$0x2] =	wrdreg s24  }
0xaf: {  	[dreg:$0x3] =	wrdreg s2  }
0xb0: {  	[dreg:$0x4] =	wrdreg $0x9  }
0xb1: {  	_ =	task.clear_ibuf [dreg:s7], $0x5FFFF;
	_ =	strace $0x90000049  }
0xb2: {  	s29 =	simm.s32 $0x9;
	_ =	strace $0x8000004B  }
0xb3: {  	_ =	swait.ge [sflag:s29], $0x1  }
0xb4: {  	[sflag:s29] =	ssyncadd.s32 $0xFFFFFFFF  }
0xb5: {  	_ =	strace $0x9000004B  }
0xb6: {  	_ =	sfence  }
0xb7: {  	s30 =	sld [smem:$0x0];
	_ =	sdelay $0x2  }
0xb8: {  	s31 =	sshll.u32 s1, $0xD;
	s1 =	sshrl.u32 s1, $0x2  }
0xb9: {  	s3 =	sand.u32 $0x4000, s31;
	s1 =	sadd.s32 s1, s30  }
0xba: {  	s0 =	sor.u32 s3, s0;
	s1 =	sshll.u32 s1, $0x11  }
0xbb: {  	s0 =	sor.u32 s1, s0  }
0xbc: {  	s0 =	sadd.s32 $0x8F2B, s0  }
0xbd: {  	[sflag:s0] =	ssyncadd.remote.s32 $0x1  }
0xbe: {  	_ =	sfence.sel $0xFFFF  }
0xbf: {  	[dreg:$0x0] =	wrdreg $0xFFFFFFFF;
	(pc) =	sbr.abs _section_cstart, $3  }
0xc0: {  	[dreg:$0x1] =	wrdreg $0xFFFFFFFF  }
0xc1: {  	_ =	task.clear_ibuf [dreg:s7], $0x2FFFF;
	_ =	strace $0x9FFFFFFF  }
0xc2: {  	(tm) =	ssettm $0x7FFFFFFF  }
0xc3: {  	_ =	shalt  }
tec
execute0_lowered:
.L_overlay_start_1:
0x0: {  	(tag) =	ssettag $0x1  }
0x1: {  	s1 =	srdreg.scid;
	s6 =	rddreg [dreg:$0x0]  }
0x2: {  	s0 =	stileid.u32;
	s2 =	rddreg [dreg:$0x1]  }
0x3: {  	s3 =	simm.s32 $0x0;
	s29 =	simm.s32 $0x6C00;
	s30 =	simm.s32 $0xA480  }
0x4: {  	s31 =	simm.s32 $0x7400;
	s13 =	simm.s32 $0xA500;
	s14 =	simm.s32 $0xA580  }
0x5: {  	s15 =	simm.s32 $0x8400;
	s16 =	simm.s32 $0xA600;
	s17 =	simm.s32 $0x8C00  }
0x6: {  	s18 =	simm.s32 $0xA680;
	s19 =	simm.s32 $0x9400;
	s20 =	simm.s32 $0xA700  }
0x7: {  	s21 =	simm.s32 $0x9C00;
	s22 =	simm.s32 $0xA780;
	s5 =	sand.u32 $0x1, s1  }
0x8: {  	s23 =	sshll.u32 s0, $0x1;
	s8 =	smul.u32 $0xC800, s0;
	[smem:$0x7FF] =	sst s3  }
0x9: {  	s4 =	sadd.s32 $0x1400, s6;
	_ =	strace $0x8000004A;
	[dreg:$0x3] =	wrdreg s29  }
0xa: {  	s10 =	smul.u32 $0x19000, s0;
	s1 =	sor.u32 s5, s23;
	[dreg:$0x4] =	wrdreg s30  }
0xb: {  	s9 =	smul.u32 $0x6400, s5;
	s24 =	ssub.s32 $0x2, s5;
	[dreg:$0x5] =	wrdreg s31  }
0xc: {  	s12 =	smul.u32 $0xC800, s5;
	[dreg:$0x6] =	wrdreg s13;
	s13 =	simm.s32 $0x7C00  }
0xd: {  	s23 =	simm.s32 $0x1;
	s7 =	smul.u32 $0xC80, s1;
	s11 =	sshrl.u32 s24, $0x1  }
0xe: {  	s10 =	sadd.s32 s10, s6;
	s8 =	sadd.s32 s9, s8;
	s25 =	ssub.s32 s24, s11  }
0xf: {  	s28 =	sadd.s32 s12, s10;
	s9 =	simm.s32 $0x3;
	s10 =	simm.s32 $0x80  }
0x10: {  	s11 =	simm.s32 $0x6400;
	s12 =	simm.s32 $0xA400;
	s8 =	sshrl.u32 s8, $0x3  }
0x11: {  	s24 =	simm.s32 $0x2;
	s7 =	sadd.s32 s7, s6;
	s6 =	sadd.s32 s8, s6  }
0x12: {  	s26 =	sadd.s32 $0x1E9A00, s7;
	s7 =	smax.u32 s25, $0x1;
	s8 =	sadd.s32 $0x202A00, s28  }
0x13: {  	s25 =	simm.s32 $0x0;
	[dreg:$0x7] =	wrdreg s26;
	s6 =	sadd.s32 $0x392A00, s6  }
.LBB2_1:
0x14: {  	s0 =	rddreg [dreg:$0x7]  }
0x15: {  	[tilespmem:s3], [sflag:$0x3] =	stream.linear.gather [hbm4b:s0+s3], $0x6400, $0x38;
	[tilespmem:$0xA800] =	vst v63  }
0x16: {  	_ =	swait.ge [sflag:s9], $0x6400  }
0x17: {  	[sflag:s9] =	ssyncset.done $0x0  }
0x18: {  	s26 =	simm.s32 $0x0;
	[sflag:s9] =	ssyncadd.s32 $0xFFFF9C00  }
0x19: {  	[tilespmem:s11], [sflag:$0x1] =	stream.indirect.gather [hbm4b:s4+s10], $0x10, s26, s10, $0xb8;
	[tilespmem:$0xA800] =	vst v63  }
0x1a: {  	_ = 	snop  }
0x1b: {  	[tilespmem:s12], [sflag:$0x2] =	stream.indirect.gather [hbm4b:s2+s10], $0x1, s26, s10, $0xb8;
	[tilespmem:$0xA800] =	vst v63  }
0x1c: {  	s1 =	simm.s32 $0x80;
	s28 =	rddreg [dreg:$0x3]  }
0x1d: {  	[tilespmem:s28], [sflag:$0x1] =	stream.indirect.gather [hbm4b:s4+s10], $0x10, s1, s10, $0xb8;
	[tilespmem:$0xA800] =	vst v63  }
0x1e: {  	s29 =	rddreg [dreg:$0x4]  }
0x1f: {  	[tilespmem:s29], [sflag:$0x2] =	stream.indirect.gather [hbm4b:s2+s10], $0x1, s1, s10, $0xb8;
	[tilespmem:$0xA800] =	vst v63  }
0x20: {  	s5 =	simm.s32 $0x100;
	s28 =	rddreg [dreg:$0x5]  }
0x21: {  	[tilespmem:s28], [sflag:$0x1] =	stream.indirect.gather [hbm4b:s4+s10], $0x10, s5, s10, $0xb8;
	[tilespmem:$0xA800] =	vst v63  }
0x22: {  	s29 =	rddreg [dreg:$0x6]  }
0x23: {  	[tilespmem:s29], [sflag:$0x2] =	stream.indirect.gather [hbm4b:s2+s10], $0x1, s5, s10, $0xb8;
	[tilespmem:$0xA800] =	vst v63  }
0x24: {  	s30 =	simm.s32 $0x180  }
0x25: {  	[tilespmem:s13], [sflag:$0x1] =	stream.indirect.gather [hbm4b:s4+s10], $0x10, s30, s10, $0xb8;
	[tilespmem:$0xA800] =	vst v63  }
0x26: {  	_ = 	snop  }
0x27: {  	[tilespmem:s14], [sflag:$0x2] =	stream.indirect.gather [hbm4b:s2+s10], $0x1, s30, s10, $0xb8;
	[tilespmem:$0xA800] =	vst v63  }
0x28: {  	s0 =	simm.s32 $0x200  }
0x29: {  	[tilespmem:s15], [sflag:$0x1] =	stream.indirect.gather [hbm4b:s4+s10], $0x10, s0, s10, $0xb8;
	[tilespmem:$0xA800] =	vst v63  }
0x2a: {  	_ = 	snop  }
0x2b: {  	[tilespmem:s16], [sflag:$0x2] =	stream.indirect.gather [hbm4b:s2+s10], $0x1, s0, s10, $0xb8;
	[tilespmem:$0xA800] =	vst v63  }
0x2c: {  	s1 =	simm.s32 $0x280  }
0x2d: {  	[tilespmem:s17], [sflag:$0x1] =	stream.indirect.gather [hbm4b:s4+s10], $0x10, s1, s10, $0xb8;
	[tilespmem:$0xA800] =	vst v63  }
0x2e: {  	_ = 	snop  }
0x2f: {  	[tilespmem:s18], [sflag:$0x2] =	stream.indirect.gather [hbm4b:s2+s10], $0x1, s1, s10, $0xb8;
	[tilespmem:$0xA800] =	vst v63  }
0x30: {  	s5 =	simm.s32 $0x300  }
0x31: {  	[tilespmem:s19], [sflag:$0x1] =	stream.indirect.gather [hbm4b:s4+s10], $0x10, s5, s10, $0xb8;
	[tilespmem:$0xA800] =	vst v63  }
0x32: {  	_ = 	snop  }
0x33: {  	[tilespmem:s20], [sflag:$0x2] =	stream.indirect.gather [hbm4b:s2+s10], $0x1, s5, s10, $0xb8;
	[tilespmem:$0xA800] =	vst v63  }
0x34: {  	s30 =	simm.s32 $0x380  }
0x35: {  	[tilespmem:s21], [sflag:$0x1] =	stream.indirect.gather [hbm4b:s4+s10], $0x10, s30, s10, $0xb8;
	[tilespmem:$0xA800] =	vst v63  }
0x36: {  	_ = 	snop  }
0x37: {  	[tilespmem:s22], [sflag:$0x2] =	stream.indirect.gather [hbm4b:s2+s10], $0x1, s30, s10, $0xb8;
	[tilespmem:$0xA800] =	vst v63  }
0x38: {  	_ =	swait.ge [sflag:s23], $0x800  }
0x39: {  	[sflag:s23] =	ssyncset.done $0x0  }
0x3a: {  	[sflag:s23] =	ssyncadd.s32 $0xFFFFF800  }
0x3b: {  	_ =	swait.ge [sflag:s24], $0x80  }
0x3c: {  	[sflag:s24] =	ssyncset.done $0x0  }
0x3d: {  	[sflag:s24] =	ssyncadd.s32 $0xFFFFFF80  }
0x3e: {  	_ =	swait.ge [sflag:s23], $0x800  }
0x3f: {  	[sflag:s23] =	ssyncset.done $0x0  }
0x40: {  	[sflag:s23] =	ssyncadd.s32 $0xFFFFF800  }
0x41: {  	_ =	swait.ge [sflag:s24], $0x80  }
0x42: {  	[sflag:s24] =	ssyncset.done $0x0  }
0x43: {  	[sflag:s24] =	ssyncadd.s32 $0xFFFFFF80  }
0x44: {  	_ =	swait.ge [sflag:s23], $0x800  }
0x45: {  	[sflag:s23] =	ssyncset.done $0x0  }
0x46: {  	[sflag:s23] =	ssyncadd.s32 $0xFFFFF800  }
0x47: {  	_ =	swait.ge [sflag:s24], $0x80  }
0x48: {  	[sflag:s24] =	ssyncset.done $0x0  }
0x49: {  	[sflag:s24] =	ssyncadd.s32 $0xFFFFFF80  }
0x4a: {  	_ =	swait.ge [sflag:s23], $0x800  }
0x4b: {  	[sflag:s23] =	ssyncset.done $0x0  }
0x4c: {  	[sflag:s23] =	ssyncadd.s32 $0xFFFFF800  }
0x4d: {  	_ =	swait.ge [sflag:s24], $0x80  }
0x4e: {  	[sflag:s24] =	ssyncset.done $0x0  }
0x4f: {  	[sflag:s24] =	ssyncadd.s32 $0xFFFFFF80  }
0x50: {  	_ =	swait.ge [sflag:s23], $0x800  }
0x51: {  	[sflag:s23] =	ssyncset.done $0x0  }
0x52: {  	[sflag:s23] =	ssyncadd.s32 $0xFFFFF800  }
0x53: {  	_ =	swait.ge [sflag:s24], $0x80  }
0x54: {  	[sflag:s24] =	ssyncset.done $0x0  }
0x55: {  	[sflag:s24] =	ssyncadd.s32 $0xFFFFFF80  }
0x56: {  	_ =	swait.ge [sflag:s23], $0x800  }
0x57: {  	[sflag:s23] =	ssyncset.done $0x0  }
0x58: {  	[sflag:s23] =	ssyncadd.s32 $0xFFFFF800  }
0x59: {  	_ =	swait.ge [sflag:s24], $0x80  }
0x5a: {  	[sflag:s24] =	ssyncset.done $0x0  }
0x5b: {  	[sflag:s24] =	ssyncadd.s32 $0xFFFFFF80  }
0x5c: {  	_ =	swait.ge [sflag:s23], $0x800  }
0x5d: {  	[sflag:s23] =	ssyncset.done $0x0  }
0x5e: {  	[sflag:s23] =	ssyncadd.s32 $0xFFFFF800  }
0x5f: {  	_ =	swait.ge [sflag:s24], $0x80  }
0x60: {  	[sflag:s24] =	ssyncset.done $0x0  }
0x61: {  	[sflag:s24] =	ssyncadd.s32 $0xFFFFFF80  }
0x62: {  	_ =	swait.ge [sflag:s23], $0x800  }
0x63: {  	[sflag:s23] =	ssyncset.done $0x0  }
0x64: {  	[sflag:s23] =	ssyncadd.s32 $0xFFFFF800  }
0x65: {  	_ =	swait.ge [sflag:s24], $0x80  }
0x66: {  	[sflag:s24] =	ssyncset.done $0x0  }
0x67: {  	[sflag:s24] =	ssyncadd.s32 $0xFFFFFF80  }
0x68: {  	[hbm4b:s8+s3] =	stream.linear.scatter [tilespmem:s11], [sflag:$0x3], $0x4000, $0x38;
	[tilespmem:$0xA800] =	vst v63  }
0x69: {  	_ =	swait.ge [sflag:s9], $0x4000  }
0x6a: {  	[sflag:s9] =	ssyncset.done $0x0  }
0x6b: {  	[sflag:s9] =	ssyncadd.s32 $0xFFFFC000  }
0x6c: {  	[hbm4b:s6+s3] =	stream.linear.scatter [tilespmem:s12], [sflag:$0x3], $0x400, $0x38;
	[tilespmem:$0xA800] =	vst v63  }
0x6d: {  	s31 =	simm.s32 $0x2000;
	s26 =	sadd.s32 $0x80, s6;
	_ =	swait.ge [sflag:s9], $0x400  }
0x6e: {  	s28 =	sadd.s32 $0x800, s8;
	s29 =	simm.s32 $0x1000;
	[sflag:s9] =	ssyncset.done $0x0  }
.LBB2_2:
0x6f: {  	s1 =	sshra.s32 s29, $0x2;
	[sflag:s9] =	ssyncadd.s32 $0xFFFFFC00  }
0x70: {  	[tilespmem:s11], [sflag:$0x1] =	stream.indirect.gather [hbm4b:s4+s10], $0x10, s1, s10, $0xb8;
	[tilespmem:$0xA800] =	vst v63  }
0x71: {  	s29 =	smov.u32 s31;
	s30 =	sadd.s32 $0x1000, s31  }
0x72: {  	[tilespmem:s12], [sflag:$0x2] =	stream.indirect.gather [hbm4b:s2+s10], $0x1, s1, s10, $0xb8;
	[tilespmem:$0xA800] =	vst v63  }
0x73: {  	p0 =	sne.s32 s31, $0x18000;
	s31 =	rddreg [dreg:$0x3];
	s0 =	sadd.s32 $0x80, s1  }
0x74: {  	[tilespmem:s31], [sflag:$0x1] =	stream.indirect.gather [hbm4b:s4+s10], $0x10, s0, s10, $0xb8;
	[tilespmem:$0xA800] =	vst v63  }
0x75: {  	s5 =	rddreg [dreg:$0x4]  }
0x76: {  	[tilespmem:s5], [sflag:$0x2] =	stream.indirect.gather [hbm4b:s2+s10], $0x1, s0, s10, $0xb8;
	[tilespmem:$0xA800] =	vst v63  }
0x77: {  	s31 =	rddreg [dreg:$0x5];
	s0 =	sadd.s32 $0x100, s1  }
0x78: {  	[tilespmem:s31], [sflag:$0x1] =	stream.indirect.gather [hbm4b:s4+s10], $0x10, s0, s10, $0xb8;
	[tilespmem:$0xA800] =	vst v63  }
0x79: {  	s5 =	rddreg [dreg:$0x6]  }
0x7a: {  	[tilespmem:s5], [sflag:$0x2] =	stream.indirect.gather [hbm4b:s2+s10], $0x1, s0, s10, $0xb8;
	[tilespmem:$0xA800] =	vst v63  }
0x7b: {  	s5 =	sadd.s32 $0x180, s1  }
0x7c: {  	[tilespmem:s13], [sflag:$0x1] =	stream.indirect.gather [hbm4b:s4+s10], $0x10, s5, s10, $0xb8;
	[tilespmem:$0xA800] =	vst v63  }
0x7d: {  	_ = 	snop  }
0x7e: {  	[tilespmem:s14], [sflag:$0x2] =	stream.indirect.gather [hbm4b:s2+s10], $0x1, s5, s10, $0xb8;
	[tilespmem:$0xA800] =	vst v63  }
0x7f: {  	s5 =	sadd.s32 $0x200, s1  }
0x80: {  	[tilespmem:s15], [sflag:$0x1] =	stream.indirect.gather [hbm4b:s4+s10], $0x10, s5, s10, $0xb8;
	[tilespmem:$0xA800] =	vst v63  }
0x81: {  	_ = 	snop  }
0x82: {  	[tilespmem:s16], [sflag:$0x2] =	stream.indirect.gather [hbm4b:s2+s10], $0x1, s5, s10, $0xb8;
	[tilespmem:$0xA800] =	vst v63  }
0x83: {  	s5 =	sadd.s32 $0x280, s1  }
0x84: {  	[tilespmem:s17], [sflag:$0x1] =	stream.indirect.gather [hbm4b:s4+s10], $0x10, s5, s10, $0xb8;
	[tilespmem:$0xA800] =	vst v63  }
0x85: {  	_ = 	snop  }
0x86: {  	[tilespmem:s18], [sflag:$0x2] =	stream.indirect.gather [hbm4b:s2+s10], $0x1, s5, s10, $0xb8;
	[tilespmem:$0xA800] =	vst v63  }
0x87: {  	s5 =	sadd.s32 $0x300, s1  }
0x88: {  	[tilespmem:s19], [sflag:$0x1] =	stream.indirect.gather [hbm4b:s4+s10], $0x10, s5, s10, $0xb8;
	[tilespmem:$0xA800] =	vst v63  }
0x89: {  	_ = 	snop  }
0x8a: {  	[tilespmem:s20], [sflag:$0x2] =	stream.indirect.gather [hbm4b:s2+s10], $0x1, s5, s10, $0xb8;
	[tilespmem:$0xA800] =	vst v63  }
0x8b: {  	s5 =	sadd.s32 $0x380, s1  }
0x8c: {  	[tilespmem:s21], [sflag:$0x1] =	stream.indirect.gather [hbm4b:s4+s10], $0x10, s5, s10, $0xb8;
	[tilespmem:$0xA800] =	vst v63  }
0x8d: {  	_ = 	snop  }
0x8e: {  	[tilespmem:s22], [sflag:$0x2] =	stream.indirect.gather [hbm4b:s2+s10], $0x1, s5, s10, $0xb8;
	[tilespmem:$0xA800] =	vst v63  }
0x8f: {  	_ =	swait.ge [sflag:s23], $0x800  }
0x90: {  	[sflag:s23] =	ssyncset.done $0x0  }
0x91: {  	[sflag:s23] =	ssyncadd.s32 $0xFFFFF800  }
0x92: {  	_ =	swait.ge [sflag:s24], $0x80  }
0x93: {  	[sflag:s24] =	ssyncset.done $0x0  }
0x94: {  	[sflag:s24] =	ssyncadd.s32 $0xFFFFFF80  }
0x95: {  	_ =	swait.ge [sflag:s23], $0x800  }
0x96: {  	[sflag:s23] =	ssyncset.done $0x0  }
0x97: {  	[sflag:s23] =	ssyncadd.s32 $0xFFFFF800  }
0x98: {  	_ =	swait.ge [sflag:s24], $0x80  }
0x99: {  	[sflag:s24] =	ssyncset.done $0x0  }
0x9a: {  	[sflag:s24] =	ssyncadd.s32 $0xFFFFFF80  }
0x9b: {  	_ =	swait.ge [sflag:s23], $0x800  }
0x9c: {  	[sflag:s23] =	ssyncset.done $0x0  }
0x9d: {  	[sflag:s23] =	ssyncadd.s32 $0xFFFFF800  }
0x9e: {  	_ =	swait.ge [sflag:s24], $0x80  }
0x9f: {  	[sflag:s24] =	ssyncset.done $0x0  }
0xa0: {  	[sflag:s24] =	ssyncadd.s32 $0xFFFFFF80  }
0xa1: {  	_ =	swait.ge [sflag:s23], $0x800  }
0xa2: {  	[sflag:s23] =	ssyncset.done $0x0  }
0xa3: {  	[sflag:s23] =	ssyncadd.s32 $0xFFFFF800  }
0xa4: {  	_ =	swait.ge [sflag:s24], $0x80  }
0xa5: {  	[sflag:s24] =	ssyncset.done $0x0  }
0xa6: {  	[sflag:s24] =	ssyncadd.s32 $0xFFFFFF80  }
0xa7: {  	_ =	swait.ge [sflag:s23], $0x800  }
0xa8: {  	[sflag:s23] =	ssyncset.done $0x0  }
0xa9: {  	[sflag:s23] =	ssyncadd.s32 $0xFFFFF800  }
0xaa: {  	_ =	swait.ge [sflag:s24], $0x80  }
0xab: {  	[sflag:s24] =	ssyncset.done $0x0  }
0xac: {  	[sflag:s24] =	ssyncadd.s32 $0xFFFFFF80  }
0xad: {  	_ =	swait.ge [sflag:s23], $0x800  }
0xae: {  	[sflag:s23] =	ssyncset.done $0x0  }
0xaf: {  	[sflag:s23] =	ssyncadd.s32 $0xFFFFF800  }
0xb0: {  	_ =	swait.ge [sflag:s24], $0x80  }
0xb1: {  	[sflag:s24] =	ssyncset.done $0x0  }
0xb2: {  	[sflag:s24] =	ssyncadd.s32 $0xFFFFFF80  }
0xb3: {  	_ =	swait.ge [sflag:s23], $0x800  }
0xb4: {  	[sflag:s23] =	ssyncset.done $0x0  }
0xb5: {  	[sflag:s23] =	ssyncadd.s32 $0xFFFFF800  }
0xb6: {  	_ =	swait.ge [sflag:s24], $0x80  }
0xb7: {  	[sflag:s24] =	ssyncset.done $0x0  }
0xb8: {  	[sflag:s24] =	ssyncadd.s32 $0xFFFFFF80  }
0xb9: {  	_ =	swait.ge [sflag:s23], $0x800  }
0xba: {  	[sflag:s23] =	ssyncset.done $0x0  }
0xbb: {  	[sflag:s23] =	ssyncadd.s32 $0xFFFFF800  }
0xbc: {  	_ =	swait.ge [sflag:s24], $0x80  }
0xbd: {  	[sflag:s24] =	ssyncset.done $0x0  }
0xbe: {  	[sflag:s24] =	ssyncadd.s32 $0xFFFFFF80  }
0xbf: {  	[hbm4b:s28+s3] =	stream.linear.scatter [tilespmem:s11], [sflag:$0x3], $0x4000, $0x38;
	[tilespmem:$0xA800] =	vst v63  }
0xc0: {  	_ =	swait.ge [sflag:s9], $0x4000  }
.Ltmp0:
0xc1: {  	[sflag:s9] =	ssyncset.done $0x0;
	(pc) =	sbr.rel @p0 .LBB2_2-.Ltmp0, $4  }
0xc2: {  	[sflag:s9] =	ssyncadd.s32 $0xFFFFC000  }
0xc3: {  	[hbm4b:s26+s3] =	stream.linear.scatter [tilespmem:s12], [sflag:$0x3], $0x400, $0x38;
	[tilespmem:$0xA800] =	vst v63  }
0xc4: {  	s31 =	smov.u32 s30;
	_ =	swait.ge [sflag:s9], $0x400  }
0xc5: {  	s28 =	sadd.s32 $0x800, s28;
	s26 =	sadd.s32 $0x80, s26;
	[sflag:s9] =	ssyncset.done $0x0  }
0xc6: {  	s0 =	sshra.s32 s29, $0x2;
	[sflag:s9] =	ssyncadd.s32 $0xFFFFFC00  }
0xc7: {  	[tilespmem:s11], [sflag:$0x1] =	stream.indirect.gather [hbm4b:s4+s10], $0x10, s0, s10, $0xb8;
	[tilespmem:$0xA800] =	vst v63  }
0xc8: {  	_ = 	snop  }
0xc9: {  	[tilespmem:s12], [sflag:$0x2] =	stream.indirect.gather [hbm4b:s2+s10], $0x1, s0, s10, $0xb8;
	[tilespmem:$0xA800] =	vst v63  }
0xca: {  	s1 =	rddreg [dreg:$0x3];
	s5 =	sadd.s32 $0x80, s0  }
0xcb: {  	[tilespmem:s1], [sflag:$0x1] =	stream.indirect.gather [hbm4b:s4+s10], $0x10, s5, s10, $0xb8;
	[tilespmem:$0xA800] =	vst v63  }
0xcc: {  	s31 =	rddreg [dreg:$0x4]  }
0xcd: {  	[tilespmem:s31], [sflag:$0x2] =	stream.indirect.gather [hbm4b:s2+s10], $0x1, s5, s10, $0xb8;
	[tilespmem:$0xA800] =	vst v63  }
0xce: {  	s30 =	sadd.s32 $0x100, s0;
	s1 =	rddreg [dreg:$0x5]  }
0xcf: {  	[tilespmem:s1], [sflag:$0x1] =	stream.indirect.gather [hbm4b:s4+s10], $0x10, s30, s10, $0xb8;
	[tilespmem:$0xA800] =	vst v63  }
0xd0: {  	s31 =	rddreg [dreg:$0x6]  }
0xd1: {  	[tilespmem:s31], [sflag:$0x2] =	stream.indirect.gather [hbm4b:s2+s10], $0x1, s30, s10, $0xb8;
	[tilespmem:$0xA800] =	vst v63  }
0xd2: {  	s5 =	sadd.s32 $0x180, s0  }
0xd3: {  	[tilespmem:s13], [sflag:$0x1] =	stream.indirect.gather [hbm4b:s4+s10], $0x10, s5, s10, $0xb8;
	[tilespmem:$0xA800] =	vst v63  }
0xd4: {  	_ = 	snop  }
0xd5: {  	[tilespmem:s14], [sflag:$0x2] =	stream.indirect.gather [hbm4b:s2+s10], $0x1, s5, s10, $0xb8;
	[tilespmem:$0xA800] =	vst v63  }
0xd6: {  	s29 =	sadd.s32 $0x200, s0  }
0xd7: {  	[tilespmem:s15], [sflag:$0x1] =	stream.indirect.gather [hbm4b:s4+s10], $0x10, s29, s10, $0xb8;
	[tilespmem:$0xA800] =	vst v63  }
0xd8: {  	_ = 	snop  }
0xd9: {  	[tilespmem:s16], [sflag:$0x2] =	stream.indirect.gather [hbm4b:s2+s10], $0x1, s29, s10, $0xb8;
	[tilespmem:$0xA800] =	vst v63  }
0xda: {  	s30 =	sadd.s32 $0x280, s0  }
0xdb: {  	[tilespmem:s17], [sflag:$0x1] =	stream.indirect.gather [hbm4b:s4+s10], $0x10, s30, s10, $0xb8;
	[tilespmem:$0xA800] =	vst v63  }
0xdc: {  	_ = 	snop  }
0xdd: {  	[tilespmem:s18], [sflag:$0x2] =	stream.indirect.gather [hbm4b:s2+s10], $0x1, s30, s10, $0xb8;
	[tilespmem:$0xA800] =	vst v63  }
0xde: {  	s31 =	sadd.s32 $0x300, s0  }
0xdf: {  	[tilespmem:s19], [sflag:$0x1] =	stream.indirect.gather [hbm4b:s4+s10], $0x10, s31, s10, $0xb8;
	[tilespmem:$0xA800] =	vst v63  }
0xe0: {  	_ = 	snop  }
0xe1: {  	[tilespmem:s20], [sflag:$0x2] =	stream.indirect.gather [hbm4b:s2+s10], $0x1, s31, s10, $0xb8;
	[tilespmem:$0xA800] =	vst v63  }
0xe2: {  	s0 =	sadd.s32 $0x380, s0  }
0xe3: {  	[tilespmem:s21], [sflag:$0x1] =	stream.indirect.gather [hbm4b:s4+s10], $0x10, s0, s10, $0xb8;
	[tilespmem:$0xA800] =	vst v63  }
0xe4: {  	_ = 	snop  }
0xe5: {  	[tilespmem:s22], [sflag:$0x2] =	stream.indirect.gather [hbm4b:s2+s10], $0x1, s0, s10, $0xb8;
	[tilespmem:$0xA800] =	vst v63  }
0xe6: {  	_ =	swait.ge [sflag:s23], $0x800  }
0xe7: {  	[sflag:s23] =	ssyncset.done $0x0  }
0xe8: {  	[sflag:s23] =	ssyncadd.s32 $0xFFFFF800  }
0xe9: {  	_ =	swait.ge [sflag:s24], $0x80  }
0xea: {  	[sflag:s24] =	ssyncset.done $0x0  }
0xeb: {  	[sflag:s24] =	ssyncadd.s32 $0xFFFFFF80  }
0xec: {  	_ =	swait.ge [sflag:s23], $0x800  }
0xed: {  	[sflag:s23] =	ssyncset.done $0x0  }
0xee: {  	[sflag:s23] =	ssyncadd.s32 $0xFFFFF800  }
0xef: {  	_ =	swait.ge [sflag:s24], $0x80  }
0xf0: {  	[sflag:s24] =	ssyncset.done $0x0  }
0xf1: {  	[sflag:s24] =	ssyncadd.s32 $0xFFFFFF80  }
0xf2: {  	_ =	swait.ge [sflag:s23], $0x800  }
0xf3: {  	[sflag:s23] =	ssyncset.done $0x0  }
0xf4: {  	[sflag:s23] =	ssyncadd.s32 $0xFFFFF800  }
0xf5: {  	_ =	swait.ge [sflag:s24], $0x80  }
0xf6: {  	[sflag:s24] =	ssyncset.done $0x0  }
0xf7: {  	[sflag:s24] =	ssyncadd.s32 $0xFFFFFF80  }
0xf8: {  	_ =	swait.ge [sflag:s23], $0x800  }
0xf9: {  	[sflag:s23] =	ssyncset.done $0x0  }
0xfa: {  	[sflag:s23] =	ssyncadd.s32 $0xFFFFF800  }
0xfb: {  	_ =	swait.ge [sflag:s24], $0x80  }
0xfc: {  	[sflag:s24] =	ssyncset.done $0x0  }
0xfd: {  	[sflag:s24] =	ssyncadd.s32 $0xFFFFFF80  }
0xfe: {  	_ =	swait.ge [sflag:s23], $0x800  }
0xff: {  	[sflag:s23] =	ssyncset.done $0x0  }
0x100: {  	[sflag:s23] =	ssyncadd.s32 $0xFFFFF800  }
0x101: {  	_ =	swait.ge [sflag:s24], $0x80  }
0x102: {  	[sflag:s24] =	ssyncset.done $0x0  }
0x103: {  	[sflag:s24] =	ssyncadd.s32 $0xFFFFFF80  }
0x104: {  	_ =	swait.ge [sflag:s23], $0x800  }
0x105: {  	[sflag:s23] =	ssyncset.done $0x0  }
0x106: {  	[sflag:s23] =	ssyncadd.s32 $0xFFFFF800  }
0x107: {  	_ =	swait.ge [sflag:s24], $0x80  }
0x108: {  	[sflag:s24] =	ssyncset.done $0x0  }
0x109: {  	[sflag:s24] =	ssyncadd.s32 $0xFFFFFF80  }
0x10a: {  	_ =	swait.ge [sflag:s23], $0x800  }
0x10b: {  	[sflag:s23] =	ssyncset.done $0x0  }
0x10c: {  	[sflag:s23] =	ssyncadd.s32 $0xFFFFF800  }
0x10d: {  	_ =	swait.ge [sflag:s24], $0x80  }
0x10e: {  	[sflag:s24] =	ssyncset.done $0x0  }
0x10f: {  	[sflag:s24] =	ssyncadd.s32 $0xFFFFFF80  }
0x110: {  	_ =	swait.ge [sflag:s23], $0x800  }
0x111: {  	[sflag:s23] =	ssyncset.done $0x0  }
0x112: {  	[sflag:s23] =	ssyncadd.s32 $0xFFFFF800  }
0x113: {  	_ =	swait.ge [sflag:s24], $0x80  }
0x114: {  	[sflag:s24] =	ssyncset.done $0x0  }
0x115: {  	[sflag:s24] =	ssyncadd.s32 $0xFFFFFF80  }
0x116: {  	[hbm4b:s28+s3] =	stream.linear.scatter [tilespmem:s11], [sflag:$0x3], $0x4000, $0x38;
	[tilespmem:$0xA800] =	vst v63  }
0x117: {  	s25 =	sadd.s32 $0x1, s25;
	_ =	swait.ge [sflag:s9], $0x4000  }
0x118: {  	p0 =	sne.s32 s25, s7;
	[sflag:s9] =	ssyncset.done $0x0  }
.Ltmp1:
0x119: {  	[sflag:s9] =	ssyncadd.s32 $0xFFFFC000;
	(pc) =	sbr.rel @p0 .LBB2_1-.Ltmp1, $4  }
0x11a: {  	[hbm4b:s26+s3] =	stream.linear.scatter [tilespmem:s12], [sflag:$0x3], $0x400, $0x38;
	[tilespmem:$0xA800] =	vst v63  }
0x11b: {  	_ =	swait.ge [sflag:s9], $0x400  }
0x11c: {  	[sflag:s9] =	ssyncset.done $0x0  }
0x11d: {  	[sflag:s9] =	ssyncadd.s32 $0xFFFFFC00  }
0x11e: {  	_ =	sfence.sel $0x180000  }
0x11f: {  	[bflag:$0x0] =	sbarrier.arrive $0xFFFF  }
0x120: {  	_ =	strace $0x9000004A  }
0x121: {  	s0 =	stileid.u32;
	[bflag:$0x2] =	sbarrier.arrive $0xFFFF  }
0x122: {  	p0 =	sne.s32 s0, $0x0;
	s0 =	rddreg [dreg:$0x2]  }
0x123: {  	s0 =	sadd.s32 @!p0 $0x100000, s0  }
0x124: {  	[sflag:s0] =	ssyncadd.tile.s32 @!p0 $0x1;
	_ =	shalt  }
.Lfunc_end2:
_tile_overlayer_lowered:
.L_overlay_start_2:
0x125: {  	(tag) =	ssettag $0x2  }
0x126: {  	s0 =	rddreg [dreg:$0x0];
	s2 =	stileid.u32  }
0x127: {  	s1 =	rddreg [dreg:$0x1];
	p0 =	sne.s32 s2, $0x0  }
0x128: {  	s3 =	rddreg [dreg:$0x2];
	[bflag:$0x3] =	sbarrier.arrive $0xFFFF;
	s2 =	simm.s32 @!p0 $0x1C03  }
0x129: {  	[timem:s3], [sflag:s2] =	dma.local @!p0 [hbm:s0], s1  }
0x12a: {  	s0 =	simm.s32 @!p0 $0x3  }
0x12b: {  	_ =	swait.ge @!p0 [sflag:s0], s1  }
0x12c: {  	s1 =	ssub.s32 @!p0 $0x0, s1;
	[sflag:s0] =	ssyncset.done @!p0 $0x0  }
0x12d: {  	[sflag:s0] =	ssyncadd.s32 @!p0 s1  }
0x12e: {  	[bflag:$0x3] =	sbarrier.arrive $0xFFFF  }
0x12f: {  	_ =	shalt  }

// kernel: sparse-core-data-format-call.1.cloned.1.call-start
scs
called_computation.1_lowered:
.L_overlay_start_0:
0x0: {  	s2 =	sld [smem:$0x3FD9]  }
0x1: {  	s3 =	sld [smem:$0x3FFE];
	_ =	sdelay $0x1  }
0x2: {  	s1 =	srdreg.scid  }
0x3: {  	s0 =	sand.u32 $0x1, s1  }
0x4: {  	s18 =	sshll.u32 s0, $0xA;
	s2 =	sadd.s32 s3, s2  }
0x5: {  	s2 =	sadd.s32 s2, s18  }
0x6: {  	[smem:$0x3FC5] =	sst s2  }
0x7: {  	_ = 	snop  }
0x8: {  	s2 =	sld [smem:$0x3FD0];
	(tm) =	ssettm $0x1  }
0x9: {  	s19 =	sld [smem:$0x3FFB];
	_ =	sdelay $0x3  }
0xa: {  	_ =	strace s19  }
0xb: {  	s3 =	sld [smem:$0x3FFC];
	_ =	sdelay $0x3  }
0xc: {  	_ =	strace s3  }
0xd: {  	s3 =	sld [smem:$0x3FFD];
	_ =	sdelay $0x3  }
0xe: {  	_ =	strace s3  }
0xf: {  	_ =	strace $0x8FFFFFFF  }
0x10: {  	s20 =	sld [smem:$0x3FDB];
	_ =	sdelay $0x1  }
0x11: {  	s4 =	simm.s32 $_scs_section_size  }
0x12: {  	s5 =	simm.s32 $_size__tile_overlayer_lowered;
	s6 =	simm.s32 $_tile_overlayer_lowered  }
0x13: {  	s23 =	simm.s32 $0x1BFF;
	s22 =	sshll.u32 s6, $0x1;
	s3 =	sadd.s32 s4, s20  }
0x14: {  	s7 =	simm.s32 $0x0;
	s21 =	sshll.u32 s5, $0x1;
	s5 =	sadd.s32 s22, s3  }
0x15: {  	[timem:s7], [sflag:s23] =	dma.local [hbm:s5], s21  }
0x16: {  	_ =	swait.ge [sflag:s23], s21  }
0x17: {  	s4 =	ssub.s32 $0x0, s21;
	[sflag:s23] =	ssyncset.done $0x0  }
0x18: {  	[sflag:s23] =	ssyncadd.s32 s4;
	_ =	sdelay $0x1  }
0x19: {  	s24 =	simm.s32 $0x1B8B  }
0x1a: {  	_ =	swait.ge [sflag:s24], $0x1  }
0x1b: {  	[sflag:s24] =	ssyncset.done $0x0  }
0x1c: {  	s26 =	simm.s32 $0x1B8E;
	s25 =	sld [smem:$0x3FFE];
	[sflag:s24] =	ssyncadd.s32 $0xFFFFFFFF  }
0x1d: {  	s27 =	simm.s32 $execute0_lowered;
	[smem:$0x3FD2] =	sst s26  }
0x1e: {  	s5 =	sshll.u32 s27, $0x1;
	_ =	strace $0x80000046;
	[dreg:$0x1] =	wrdreg $0xFFFFFFFF  }
0x1f: {  	s28 =	simm.s32 $_size_execute0_lowered;
	s3 =	sadd.s32 s3, s5;
	[dreg:$0x0] =	wrdreg $0x0  }
0x20: {  	s5 =	sshll.u32 s28, $0x1;
	[dreg:$0x2] =	wrdreg s3  }
0x21: {  	[dreg:$0x3] =	wrdreg s5  }
0x22: {  	[dreg:$0x4] =	wrdreg $0xC0  }
0x23: {  	_ =	task [dreg:s7], $0x5FFFF  }
0x24: {  	[dreg:$0x1] =	wrdreg $0xFFFFFFFF  }
0x25: {  	[dreg:$0x0] =	wrdreg $0x60  }
0x26: {  	[dreg:$0x2] =	wrdreg s2  }
0x27: {  	[dreg:$0x3] =	wrdreg s25  }
0x28: {  	[dreg:$0x4] =	wrdreg $0x9  }
0x29: {  	_ =	task.clear_ibuf [dreg:s7], $0x5FFFF;
	_ =	strace $0x90000046  }
0x2a: {  	s29 =	simm.s32 $0x9;
	_ =	strace $0x80000048  }
0x2b: {  	_ =	swait.ge [sflag:s29], $0x1  }
0x2c: {  	[sflag:s29] =	ssyncadd.s32 $0xFFFFFFFF  }
0x2d: {  	_ =	strace $0x90000048  }
0x2e: {  	_ =	sfence  }
0x2f: {  	s30 =	sld [smem:$0x0];
	_ =	sdelay $0x2  }
0x30: {  	s31 =	sshll.u32 s1, $0xD;
	s1 =	sshrl.u32 s1, $0x2  }
0x31: {  	s3 =	sand.u32 $0x4000, s31;
	s1 =	sadd.s32 s1, s30  }
0x32: {  	s0 =	sor.u32 s3, s0;
	s1 =	sshll.u32 s1, $0x11  }
0x33: {  	s0 =	sor.u32 s1, s0  }
0x34: {  	s0 =	sadd.s32 $0x8F2B, s0  }
0x35: {  	[sflag:s0] =	ssyncadd.remote.s32 $0x1  }
0x36: {  	_ =	sfence.sel $0xFFFF  }
0x37: {  	[dreg:$0x0] =	wrdreg $0xFFFFFFFF;
	(pc) =	sbr.abs _section_cstart, $3  }
0x38: {  	[dreg:$0x1] =	wrdreg $0xFFFFFFFF  }
0x39: {  	_ =	task.clear_ibuf [dreg:s7], $0x2FFFF;
	_ =	strace $0x9FFFFFFF  }
0x3a: {  	(tm) =	ssettm $0x7FFFFFFF  }
0x3b: {  	_ =	shalt  }
tec
execute0_lowered:
.L_overlay_start_1:
0x0: {  	(tag) =	ssettag $0x1  }
0x1: {  	s2 =	rddreg [dreg:$0x0]  }
0x2: {  	s0 =	srdreg.scid;
	s4 =	rddreg [dreg:$0x1]  }
0x3: {  	s1 =	stileid.u32;
	s5 =	simm.s32 $0x1;
	s0 =	sshll.u32 s0, $0x4  }
0x4: {  	s7 =	simm.s32 $0x2;
	s8 =	simm.s32 $0x0;
	s3 =	sand.u32 $0x10, s0  }
.Ltmp0:
0x5: {  	s12 =	simm.s32 $0x0;
	s3 =	sor.u32 s1, s3;
	(pc) =	sbr.rel .LBB1_1-.Ltmp0, $4  }
0x6: {  	s10 =	simm.s32 $0x0;
	s11 =	simm.s32 $0x0;
	s3 =	sshll.u32 s3, $0x3  }
0x7: {  	s0 =	rddreg [dreg:$0x2];
	_ =	strace $0x80000047;
	s6 =	ssub.s32 $0x3D08, s3  }
0x8: {  	s4 =	sadd.s32 $0x1400, s4;
	[sflag:s5] =	ssyncpa.u1 $0x0;
	s6 =	sshrl.u32 s6, $0x8  }
0x9: {  	[sflag:s7] =	ssyncpa.u1 $0x0;
	s9 =	smov.u32 s3;
	s7 =	sor.u32 $0x2, s6  }
.LBB1_9:
0xa: {  	s14 =	sshll.u32 s10, $0x7  }
0xb: {  	s14 =	sadd.s32 s4, s14  }
0xc: {  	[hbm4b:s14+s8] =	stream.linear.scatter [tilespmem:s15], [sflag:$0x2], s13, $0x38;
	[tilespmem:$0x8000] =	vst v63  }
.LBB1_10:
0xd: {  	p0 =	slt.u32 s11, $0x2  }
0xe: {  	p1 =	sgt.s32 @!p0 s12, $0x3D01  }
0xf: {  	s13 =	smov.u32 s12;
	s14 =	sshra.s32 @!p0 s12, $0x1F;
	p1 =	por !p1, p0  }
0x10: {  	s12 =	sand.u32 @!p0 s14, s12;
	s13 =	simm.s32 @p1 $0x3D01  }
0x11: {  	s12 =	ssub.s32 @!p0 s13, s12  }
0x12: {  	s12 =	sadd.s32 @!p0 $0xFFFFC2FF, s12  }
0x13: {  	s13 =	sshll.u32 @!p0 s12, $0xC  }
0x14: {  	p1 =	sgt.s32 @!p0 s12, $0x7;
	s12 =	ssub.s32 @!p0 $0x8000, s13  }
0x15: {  	s14 =	sadd.s32 $0x100, s9;
	p1 =	por !p1, p0;
	s12 =	sshrl.u32 @!p0 s12, $0x2  }
0x16: {  	s12 =	simm.s32 @!p1 $0x0;
	p1 =	sgt.s32 s14, $0x3D08  }
0x17: {  	s14 =	smov.u32 @p1 s3;
	p1 =	sne.s32 s11, s7  }
.Ltmp1:
0x18: {  	_ = 	snop;
	(pc) =	sbr.rel @!p1 .LBB1_11-.Ltmp1, $4  }
0x19: {  	s13 =	simm.s32 @!p0 $0x2  }
0x1a: {  	_ =	swait.ge @!p0 [sflag:s13], s12;
	s15 =	ssub.s32 @!p0 $0x0, s12  }
0x1b: {  	s12 =	smov.u32 s10;
	s11 =	sadd.s32 $0x1, s11;
	[sflag:s13] =	ssyncset.done @!p0 $0x0  }
0x1c: {  	s10 =	smov.u32 s9;
	s9 =	smov.u32 s14;
	[sflag:s13] =	ssyncadd.s32 @!p0 s15  }
.LBB1_1:
0x1d: {  	p0 =	sgt.u32 s11, s6  }
0x1e: {  	p1 =	sgt.s32 @!p0 s9, $0x3D01  }
0x1f: {  	s13 =	smov.u32 s9;
	s14 =	sshra.s32 @!p0 s9, $0x1F;
	p1 =	por !p1, p0  }
0x20: {  	s14 =	sand.u32 @!p0 s14, s9;
	s13 =	simm.s32 @p1 $0x3D01  }
0x21: {  	s13 =	ssub.s32 @!p0 s13, s14  }
0x22: {  	s13 =	sadd.s32 @!p0 $0xFFFFC2FF, s13  }
0x23: {  	s15 =	sshll.u32 @!p0 s9, $0x7;
	s16 =	simm.s32 @!p0 $0x0;
	s14 =	sshll.u32 @!p0 s13, $0xC  }
0x24: {  	p1 =	sgt.s32 @!p0 s13, $0x7;
	s13 =	ssub.s32 @!p0 $0x8000, s14;
	s14 =	sxor.u32 @!p0 $0xFFFFFFFF, s11  }
0x25: {  	p1 =	por !p1, p0;
	s13 =	sshrl.u32 @!p0 s13, $0x2;
	s14 =	sshll.u32 @!p0 s14, $0xD  }
0x26: {  	s15 =	sadd.s32 @!p0 s2, s15;
	s13 =	simm.s32 @!p1 $0x0;
	s14 =	sand.u32 @!p0 $0x2000, s14  }
0x27: {  	[tilespmem:s14], [sflag:$0x1] =	stream.linear.gather @!p0 [hbm4b:s15+s16], s13, $0x38;
	[tilespmem:$0x8000] =	vst v63  }
0x28: {  	p0 =	seq.s32 s11, $0x0  }
0x29: {  	p1 =	sge.u32 @!p0 s11, s7  }
0x2a: {  	p0 =	por p0, p1  }
.Ltmp2:
0x2b: {  	_ = 	snop;
	(pc) =	sbr.rel @p0 .LBB1_10-.Ltmp2, $1  }
0x2c: {  	_ =	sdelay $0x3  }
0x2d: {  	p0 =	sgt.s32 s10, $0x3D01;
	s13 =	smov.u32 s10;
	s14 =	sshra.s32 s10, $0x1F  }
0x2e: {  	s13 =	simm.s32 @!p0 $0x3D01;
	s14 =	sand.u32 s14, s10  }
0x2f: {  	s13 =	ssub.s32 s13, s14  }
0x30: {  	s13 =	sadd.s32 $0xFFFFC2FF, s13  }
0x31: {  	s31 =	sshll.u32 s13, $0xC  }
0x32: {  	s14 =	ssub.s32 $0x8000, s31  }
0x33: {  	p0 =	sgt.s32 s13, $0x7;
	s13 =	sshrl.u32 s14, $0x2;
	s14 =	sadd.s32 $0x8, s10  }
0x34: {  	s13 =	simm.s32 @p0 $0x0;
	p0 =	slt.s32 s14, $0x3D09  }
0x35: {  	s14 =	simm.s32 @!p0 $0x3D09  }
0x36: {  	s14 =	ssub.s32 s14, s10  }
0x37: {  	p0 =	slt.s32 s14, $0x1  }
.Ltmp3:
0x38: {  	_ = 	snop;
	(pc) =	sbr.rel @p0 .LBB1_9-.Ltmp3, $4  }
0x39: {  	s16 =	sshll.u32 s11, $0xF  }
0x3a: {  	s16 =	sand.u32 $0x8000, s16;
	_ =	swait.ge [sflag:s5], s13  }
0x3b: {  	s16 =	sshrl.u32 s16, $0x2;
	s15 =	ssub.s32 $0x0, s13;
	[sflag:s5] =	ssyncset.done $0x0  }
0x3c: {  	[sflag:s5] =	ssyncadd.s32 s15;
	s15 =	sor.u32 $0x4000, s16  }
0x3d: {  	s17 =	simm.s32 $0x0  }
.LBB1_4:
0x3e: {  	s18 =	sshll.u32 s17, $0xC  }
0x3f: {  	s18 =	sshra.s32 s18, $0x2  }
0x40: {  	s19 =	sadd.s32 s18, s16  }
0x41: {  	s20 =	sadd.s32 $0x100, s19;
	v0 =	vmov s19  }
0x42: {  	s21 =	sadd.s32 $0x200, s19;
	v1 =	vmov s20  }
0x43: {  	s22 =	sadd.s32 $0x300, s19;
	v2 =	vmov s21  }
0x44: {  	p1 =	por $0x1, $0x1;
	s18 =	sadd.s32 s18, s15;
	v3 =	vmov s22;
	s20 =	simm.s32 $0x0  }
.LBB1_5:
0x45: {  	s19 =	sshll.u32 s20, $0x7  }
0x46: {  	s21 =	sand.u32 $0x3FFFFF80, s19  }
0x47: {  	p0 =	por p1, p1;
	s21 =	sadd.s32 s21, s18  }
0x48: {  	s22 =	sadd.s32 $0x80, s21;
	s23 =	sadd.s32 $0x100, s21;
	s24 =	sadd.s32 $0x180, s21;
	v4 =	vmov s21  }
0x49: {  	s20 =	sshll.u32 s20, $0x5;
	p1 =	por $0x1, $0x1;
	s21 =	simm.s32 $0x0;
	v5 =	vmov s22;
	v6 =	vmov s23;
	v7 =	vmov s24  }
.LBB1_6:
0x4a: {  	s22 =	sor.u32 s20, s21  }
0x4b: {  	v8 =	vld.idx.msk [tilespmem:v0+s22+$0x0 ss:$0x1], $0xffff  }
0x4c: {  	v9 =	vld.idx.msk [tilespmem:v1+s22+$0x0 ss:$0x1], $0xffff  }
0x4d: {  	v10 =	vld.idx.msk [tilespmem:v2+s22+$0x0 ss:$0x1], $0xffff;
	_ =	sdelay $0x1  }
0x4e: {  	v13 =	vld.idx.msk [tilespmem:v3+s22+$0x0 ss:$0x1], $0xffff  }
0x4f: {  	v24 =	vld.idx.msk [tilespmem:v0+s22+$0x10 ss:$0x1], $0xffff;
	v11 =	vshrl.u32 v8, $0x10;
	v12 =	vshrl.u32 v8, $0x8;
	v14 =	vshrl.u32 v8, $0x18  }
0x50: {  	v38 =	vld.idx.msk [tilespmem:v1+s22+$0x10 ss:$0x1], $0xffff;
	v8 =	vand.u32 $0xFF, v8;
	v15 =	vshrl.u32 v9, $0x10;
	v16 =	vshrl.u32 v9, $0x8  }
0x51: {  	v43 =	vld.idx.msk [tilespmem:v2+s22+$0x10 ss:$0x1], $0xffff;
	v17 =	vshrl.u32 v9, $0x18;
	v9 =	vand.u32 $0xFF, v9;
	v18 =	vshrl.u32 v10, $0x10  }
0x52: {  	v46 =	vld.idx.msk [tilespmem:v3+s22+$0x10 ss:$0x1], $0xffff;
	v19 =	vshrl.u32 v10, $0x8;
	v20 =	vshrl.u32 v10, $0x18;
	v10 =	vand.u32 $0xFF, v10  }
0x53: {  	v21 =	vshrl.u32 v13, $0x18;
	v22 =	vshrl.u32 v13, $0x10;
	v23 =	vshrl.u32 v13, $0x8  }
0x54: {  	v13 =	vand.u32 $0xFF, v13;
	v44 =	vshrl.u32 v24, $0x10;
	v45 =	vshrl.u32 v24, $0x8  }
0x55: {  	v47 =	vshrl.u32 v24, $0x18;
	v48 =	vand.u32 $0xFF, v24;
	v49 =	vshrl.u32 v38, $0x10  }
0x56: {  	v50 =	vshrl.u32 v38, $0x8;
	v51 =	vshrl.u32 v38, $0x18;
	v52 =	vshrl.u32 v43, $0x10  }
0x57: {  	v53 =	vshrl.u32 v43, $0x8;
	v54 =	vshrl.u32 v43, $0x18;
	v25 =	vshrl.u32 v46, $0x10  }
0x58: {  	v26 =	vand.u32 $0xFF, v46;
	v55 =	vshrl.u32 v46, $0x8;
	v11 =	vand.u32 $0xFF, v11  }
0x59: {  	v12 =	vand.u32 $0xFF, v12;
	v15 =	vand.u32 $0xFF, v15;
	v16 =	vand.u32 $0xFF, v16  }
0x5a: {  	v18 =	vand.u32 $0xFF, v18;
	v19 =	vand.u32 $0xFF, v19;
	v22 =	vand.u32 $0xFF, v22  }
0x5b: {  	v23 =	vand.u32 $0xFF, v23;
	v8 =	vpack.i.b32.b16 v10, v8;
	v9 =	vpack.i.b32.b16 v13, v9  }
0x5c: {  	s23 =	sshll.u32 s21, $0x2;
	v41 =	vpack.i.b32.b16 v20, v14;
	v42 =	vpack.i.b32.b16 v21, v17;
	v13 =	vand.u32 $0xFF, v44  }
0x5d: {  	s21 =	sor.u32 $0x80, s23;
	v20 =	vand.u32 $0xFF, v50;
	v14 =	vand.u32 $0xFF, v43;
	v25 =	vand.u32 $0xFF, v25  }
0x5e: {  	s31 =	sor.u32 s19, s21;
	v62 =	vpack.i.b32.b16 v54, v47;
	v8 =	vpack.i.b16.b8 v9, v8;
	v36 =	vpack.i.b32.b16 v19, v12  }
0x5f: {  	s22 =	sshra.s32 s31, $0x2;
	v37 =	vpack.i.b32.b16 v23, v16;
	v39 =	vpack.i.b32.b16 v18, v11;
	v40 =	vpack.i.b32.b16 v22, v15  }
0x60: {  	v56 =	vld.idx.msk [tilespmem:v0+s22+$0x0 ss:$0x1], $0xffff;
	v11 =	vpack.i.b16.b8 v42, v41;
	v15 =	vand.u32 $0xFF, v45;
	v19 =	vand.u32 $0xFF, v49  }
0x61: {  	v59 =	vld.idx.msk [tilespmem:v1+s22+$0x0 ss:$0x1], $0xffff;
	v12 =	vand.u32 $0xFF, v38;
	v22 =	vand.u32 $0xFF, v52;
	v23 =	vand.u32 $0xFF, v53  }
0x62: {  	v61 =	vld.idx.msk [tilespmem:v2+s22+$0x0 ss:$0x1], $0xffff;
	v14 =	vpack.i.b32.b16 v14, v48;
	v16 =	vshrl.u32 v46, $0x18;
	v18 =	vand.u32 $0xFF, v55  }
0x63: {  	v63 =	vld.idx.msk [tilespmem:v3+s22+$0x0 ss:$0x1], $0xffff;
	v9 =	vpack.i.b16.b8 v37, v36;
	v10 =	vpack.i.b16.b8 v40, v39;
	v12 =	vpack.i.b32.b16 v26, v12  }
0x64: {  	v57 =	vpack.i.b32.b16 v23, v15;
	v58 =	vpack.i.b32.b16 v18, v20;
	v13 =	vpack.i.b32.b16 v22, v13  }
0x65: {  	v60 =	vpack.i.b32.b16 v25, v19;
	v16 =	vpack.i.b32.b16 v16, v51;
	v25 =	vshrl.u32 v56, $0x10  }
0x66: {  	v27 =	vshrl.u32 v56, $0x8;
	v28 =	vshrl.u32 v56, $0x18;
	v29 =	vand.u32 $0xFF, v56  }
0x67: {  	v30 =	vshrl.u32 v59, $0x18;
	v31 =	vshrl.u32 v59, $0x10;
	v32 =	vshrl.u32 v59, $0x8  }
0x68: {  	s23 =	sshra.s32 s23, $0x2;
	v33 =	vand.u32 $0xFF, v61;
	v18 =	vand.u32 $0xFF, v59;
	v34 =	vand.u32 $0xFF, v63  }
0x69: {  	v35 =	vshrl.u32 v61, $0x10;
	[tilespmem:v4+s23+$0x0 ss:$0x1] =	vst.idx.msk $0xffff, v8;
	v8 =	vshrl.u32 v61, $0x18;
	v19 =	vshrl.u32 v61, $0x8  }
0x6a: {  	v37 =	vshrl.u32 v63, $0x8;
	v39 =	vshrl.u32 v63, $0x10;
	v40 =	vshrl.u32 v63, $0x18  }
0x6b: {  	v12 =	vpack.i.b16.b8 v12, v14;
	v14 =	vpack.i.b16.b8 v58, v57;
	v13 =	vpack.i.b16.b8 v60, v13  }
0x6c: {  	v15 =	vpack.i.b16.b8 v16, v62;
	v16 =	vand.u32 $0xFF, v25;
	v20 =	vand.u32 $0xFF, v27  }
0x6d: {  	[tilespmem:v7+s23+$0x0 ss:$0x1] =	vst.idx.msk $0xffff, v11;
	v24 =	vand.u32 $0xFF, v31;
	v22 =	vpack.i.b32.b16 v33, v29;
	v25 =	vand.u32 $0xFF, v32  }
0x6e: {  	v43 =	vld.idx.msk [tilespmem:v2+s22+$0x10 ss:$0x1], $0xffff;
	v18 =	vpack.i.b32.b16 v34, v18;
	v26 =	vand.u32 $0xFF, v35;
	[tilespmem:v5+s23+$0x0 ss:$0x1] =	vst.idx.msk $0xffff, v9;
	v36 =	vand.u32 $0xFF, v19  }
0x6f: {  	v38 =	vld.idx.msk [tilespmem:v0+s22+$0x10 ss:$0x1], $0xffff;
	[tilespmem:v6+s23+$0x0 ss:$0x1] =	vst.idx.msk $0xffff, v10;
	v19 =	vand.u32 $0xFF, v37;
	v10 =	vand.u32 $0xFF, v39;
	v8 =	vpack.i.b32.b16 v8, v28  }
0x70: {  	v42 =	vld.idx.msk [tilespmem:v1+s22+$0x10 ss:$0x1], $0xffff;
	v11 =	vpack.i.b32.b16 v40, v30;
	v18 =	vpack.i.b16.b8 v18, v22;
	v9 =	vpack.i.b32.b16 v36, v20  }
0x71: {  	v41 =	vpack.i.b32.b16 v19, v25;
	v16 =	vpack.i.b32.b16 v26, v16;
	v10 =	vpack.i.b32.b16 v10, v24  }
0x72: {  	v46 =	vld.idx.msk [tilespmem:v3+s22+$0x10 ss:$0x1], $0xffff;
	v8 =	vpack.i.b16.b8 v11, v8;
	v9 =	vpack.i.b16.b8 v41, v9;
	v10 =	vpack.i.b16.b8 v10, v16  }
0x73: {  	v53 =	vshrl.u32 v43, $0x18;
	v54 =	vshrl.u32 v43, $0x8;
	v55 =	vshrl.u32 v43, $0x10  }
0x74: {  	[tilespmem:v4+s23+$0x10 ss:$0x1] =	vst.idx.msk $0xffff, v12;
	v16 =	vand.u32 $0xFF, v43;
	v44 =	vshrl.u32 v38, $0x10;
	v45 =	vshrl.u32 v38, $0x8  }
0x75: {  	[tilespmem:v5+s23+$0x10 ss:$0x1] =	vst.idx.msk $0xffff, v14;
	v47 =	vshrl.u32 v38, $0x18;
	v48 =	vand.u32 $0xFF, v38;
	v49 =	vshrl.u32 v42, $0x10  }
0x76: {  	[tilespmem:v6+s23+$0x10 ss:$0x1] =	vst.idx.msk $0xffff, v13;
	v50 =	vshrl.u32 v42, $0x8;
	v51 =	vshrl.u32 v42, $0x18;
	v52 =	vand.u32 $0xFF, v42  }
0x77: {  	s21 =	sshrl.u32 s21, $0x2;
	[tilespmem:v7+s23+$0x10 ss:$0x1] =	vst.idx.msk $0xffff, v15;
	v22 =	vand.u32 $0xFF, v54;
	v56 =	vshrl.u32 v46, $0x10;
	v57 =	vshrl.u32 v46, $0x8  }
0x78: {  	[tilespmem:v5+s21+$0x0 ss:$0x1] =	vst.idx.msk $0xffff, v9;
	v58 =	vand.u32 $0xFF, v46;
	v9 =	vand.u32 $0xFF, v55;
	v11 =	vand.u32 $0xFF, v44  }
0x79: {  	[tilespmem:v4+s21+$0x0 ss:$0x1] =	vst.idx.msk $0xffff, v18;
	v12 =	vand.u32 $0xFF, v45;
	v20 =	vand.u32 $0xFF, v49;
	v21 =	vand.u32 $0xFF, v50  }
0x7a: {  	[tilespmem:v7+s21+$0x0 ss:$0x1] =	vst.idx.msk $0xffff, v8;
	v8 =	vand.u32 $0xFF, v57;
	v13 =	vpack.i.b32.b16 v16, v48;
	v59 =	vpack.i.b32.b16 v58, v52  }
0x7b: {  	p2 =	por p1, p1;
	[tilespmem:v6+s21+$0x0 ss:$0x1] =	vst.idx.msk $0xffff, v10;
	v10 =	vand.u32 $0xFF, v56;
	v12 =	vpack.i.b32.b16 v22, v12;
	v8 =	vpack.i.b32.b16 v8, v21  }
.Ltmp4:
0x7c: {  	v62 =	vpack.i.b32.b16 v53, v47;
	v13 =	vpack.i.b16.b8 v59, v13;
	v8 =	vpack.i.b16.b8 v8, v12;
	(pc) =	sbr.rel @p2 .LBB1_6-.Ltmp4, $4  }
0x7d: {  	v60 =	vshrl.u32 v46, $0x18;
	v61 =	vpack.i.b32.b16 v10, v20;
	[tilespmem:v5+s21+$0x10 ss:$0x1] =	vst.idx.msk $0xffff, v8;
	v8 =	vpack.i.b32.b16 v9, v11  }
0x7e: {  	v63 =	vpack.i.b32.b16 v60, v51;
	[tilespmem:v4+s21+$0x10 ss:$0x1] =	vst.idx.msk $0xffff, v13;
	v8 =	vpack.i.b16.b8 v61, v8  }
0x7f: {  	[tilespmem:v6+s21+$0x10 ss:$0x1] =	vst.idx.msk $0xffff, v8;
	v8 =	vpack.i.b16.b8 v63, v62  }
0x80: {  	p1 =	por $0x0, $0x0;
	[tilespmem:v7+s21+$0x10 ss:$0x1] =	vst.idx.msk $0xffff, v8;
	s21 =	simm.s32 $0x40  }
.Ltmp5:
0x81: {  	(pc) =	sbr.rel @p0 .LBB1_5-.Ltmp5, $2  }
0x82: {  	_ =	sdelay $0x2  }
0x83: {  	s20 =	simm.s32 $0x4;
	p1 =	por $0x0, $0x0  }
0x84: {  	s17 =	sadd.s32 $0x1, s17  }
0x85: {  	p0 =	sne.s32 s17, s14  }
.Ltmp6:
0x86: {  	_ = 	snop;
	(pc) =	sbr.rel @p0 .LBB1_4-.Ltmp6, $4  }
.Ltmp7:
0x87: {  	_ = 	snop;
	(pc) =	sbr.rel @!p0 .LBB1_9-.Ltmp7, $4  }
0x88: {  	_ = 	snop  }
0x89: {  	_ = 	snop  }
0x8a: {  	_ = 	snop  }
0x8b: {  	_ = 	snop  }
.LBB1_11:
0x8c: {  	_ =	sfence.sel $0x180000  }
0x8d: {  	s2 =	simm.s32 $0x1;
	[bflag:$0x0] =	sbarrier.arrive $0xFFFF  }
0x8e: {  	s31 =	simm.s32 $0x2;
	[sflag:s2] =	ssyncpa.u1 $0x1  }
0x8f: {  	[sflag:s31] =	ssyncpa.u1 $0x1  }
0x90: {  	p0 =	sne.s32 s1, $0x0;
	_ =	strace $0x90000047  }
0x91: {  	s0 =	sadd.s32 @!p0 $0x100000, s0;
	[bflag:$0x2] =	sbarrier.arrive $0xFFFF  }
0x92: {  	[sflag:s0] =	ssyncadd.tile.s32 @!p0 $0x1;
	_ =	shalt  }
.Lfunc_end1:
_tile_overlayer_lowered:
.L_overlay_start_2:
0x93: {  	(tag) =	ssettag $0x2  }
0x94: {  	s0 =	rddreg [dreg:$0x0];
	s2 =	stileid.u32  }
0x95: {  	s1 =	rddreg [dreg:$0x1];
	p0 =	sne.s32 s2, $0x0  }
0x96: {  	s3 =	rddreg [dreg:$0x2];
	[bflag:$0x3] =	sbarrier.arrive $0xFFFF;
	s2 =	simm.s32 @!p0 $0x1C01  }
0x97: {  	[timem:s3], [sflag:s2] =	dma.local @!p0 [hbm:s0], s1  }
0x98: {  	s0 =	simm.s32 @!p0 $0x1  }
0x99: {  	_ =	swait.ge @!p0 [sflag:s0], s1  }
0x9a: {  	s1 =	ssub.s32 @!p0 $0x0, s1;
	[sflag:s0] =	ssyncset.done @!p0 $0x0  }
0x9b: {  	[sflag:s0] =	ssyncadd.s32 @!p0 s1  }
0x9c: {  	[bflag:$0x3] =	sbarrier.arrive $0xFFFF  }
0x9d: {  	_ =	shalt  }

// kernel: sparse-core-data-format-call.cloned.1.call-start
scs
called_computation_lowered:
.L_overlay_start_0:
0x0: {  	s2 =	sld [smem:$0x3FD9]  }
0x1: {  	s3 =	sld [smem:$0x3FFE];
	_ =	sdelay $0x1  }
0x2: {  	s1 =	srdreg.scid  }
0x3: {  	s0 =	sand.u32 $0x1, s1  }
0x4: {  	s18 =	sshll.u32 s0, $0xA;
	s2 =	sadd.s32 s3, s2  }
0x5: {  	s2 =	sadd.s32 s2, s18  }
0x6: {  	[smem:$0x3FC5] =	sst s2  }
0x7: {  	_ = 	snop  }
0x8: {  	s2 =	sld [smem:$0x3FD0];
	(tm) =	ssettm $0x1  }
0x9: {  	s19 =	sld [smem:$0x3FFB];
	_ =	sdelay $0x3  }
0xa: {  	_ =	strace s19  }
0xb: {  	s3 =	sld [smem:$0x3FFC];
	_ =	sdelay $0x3  }
0xc: {  	_ =	strace s3  }
0xd: {  	s3 =	sld [smem:$0x3FFD];
	_ =	sdelay $0x3  }
0xe: {  	_ =	strace s3  }
0xf: {  	_ =	strace $0x8FFFFFFF  }
0x10: {  	s20 =	sld [smem:$0x3FDB];
	_ =	sdelay $0x1  }
0x11: {  	s4 =	simm.s32 $_scs_section_size  }
0x12: {  	s5 =	simm.s32 $_size__tile_overlayer_lowered;
	s6 =	simm.s32 $_tile_overlayer_lowered  }
0x13: {  	s23 =	simm.s32 $0x1BFF;
	s22 =	sshll.u32 s6, $0x1;
	s3 =	sadd.s32 s4, s20  }
0x14: {  	s7 =	simm.s32 $0x0;
	s21 =	sshll.u32 s5, $0x1;
	s5 =	sadd.s32 s22, s3  }
0x15: {  	[timem:s7], [sflag:s23] =	dma.local [hbm:s5], s21  }
0x16: {  	_ =	swait.ge [sflag:s23], s21  }
0x17: {  	s4 =	ssub.s32 $0x0, s21;
	[sflag:s23] =	ssyncset.done $0x0  }
0x18: {  	[sflag:s23] =	ssyncadd.s32 s4;
	_ =	sdelay $0x1  }
0x19: {  	s24 =	simm.s32 $0x1B8B  }
0x1a: {  	_ =	swait.ge [sflag:s24], $0x1  }
0x1b: {  	[sflag:s24] =	ssyncset.done $0x0  }
0x1c: {  	s26 =	simm.s32 $0x1B8E;
	s25 =	sld [smem:$0x3FFE];
	[sflag:s24] =	ssyncadd.s32 $0xFFFFFFFF  }
0x1d: {  	s27 =	simm.s32 $execute0_lowered;
	[smem:$0x3FD2] =	sst s26  }
0x1e: {  	s5 =	sshll.u32 s27, $0x1;
	_ =	strace $0x8000004C;
	[dreg:$0x1] =	wrdreg $0xFFFFFFFF  }
0x1f: {  	s28 =	simm.s32 $_size_execute0_lowered;
	s3 =	sadd.s32 s3, s5;
	[dreg:$0x0] =	wrdreg $0x0  }
0x20: {  	s5 =	sshll.u32 s28, $0x1;
	[dreg:$0x2] =	wrdreg s3  }
0x21: {  	[dreg:$0x3] =	wrdreg s5  }
0x22: {  	[dreg:$0x4] =	wrdreg $0xC0  }
0x23: {  	_ =	task [dreg:s7], $0x5FFFF  }
0x24: {  	[dreg:$0x1] =	wrdreg $0xFFFFFFFF  }
0x25: {  	[dreg:$0x0] =	wrdreg $0x60  }
0x26: {  	[dreg:$0x2] =	wrdreg s25  }
0x27: {  	[dreg:$0x3] =	wrdreg s2  }
0x28: {  	[dreg:$0x4] =	wrdreg $0x9  }
0x29: {  	_ =	task.clear_ibuf [dreg:s7], $0x5FFFF;
	_ =	strace $0x9000004C  }
0x2a: {  	s29 =	simm.s32 $0x9;
	_ =	strace $0x8000004E  }
0x2b: {  	_ =	swait.ge [sflag:s29], $0x1  }
0x2c: {  	[sflag:s29] =	ssyncadd.s32 $0xFFFFFFFF  }
0x2d: {  	_ =	strace $0x9000004E  }
0x2e: {  	_ =	sfence  }
0x2f: {  	s30 =	sld [smem:$0x0];
	_ =	sdelay $0x2  }
0x30: {  	s31 =	sshll.u32 s1, $0xD;
	s1 =	sshrl.u32 s1, $0x2  }
0x31: {  	s3 =	sand.u32 $0x4000, s31;
	s1 =	sadd.s32 s1, s30  }
0x32: {  	s0 =	sor.u32 s3, s0;
	s1 =	sshll.u32 s1, $0x11  }
0x33: {  	s0 =	sor.u32 s1, s0  }
0x34: {  	s0 =	sadd.s32 $0x8F2B, s0  }
0x35: {  	[sflag:s0] =	ssyncadd.remote.s32 $0x1  }
0x36: {  	_ =	sfence.sel $0xFFFF  }
0x37: {  	[dreg:$0x0] =	wrdreg $0xFFFFFFFF;
	(pc) =	sbr.abs _section_cstart, $3  }
0x38: {  	[dreg:$0x1] =	wrdreg $0xFFFFFFFF  }
0x39: {  	_ =	task.clear_ibuf [dreg:s7], $0x2FFFF;
	_ =	strace $0x9FFFFFFF  }
0x3a: {  	(tm) =	ssettm $0x7FFFFFFF  }
0x3b: {  	_ =	shalt  }
tec
execute0_lowered:
.L_overlay_start_1:
0x0: {  	(tag) =	ssettag $0x1  }
0x1: {  	s0 =	srdreg.scid  }
0x2: {  	s1 =	sshll.u32 s0, $0x4  }
0x3: {  	s0 =	stileid.u32;
	s1 =	sand.u32 $0x10, s1  }
0x4: {  	s1 =	sor.u32 s0, s1  }
0x5: {  	s6 =	rddreg [dreg:$0x0];
	s4 =	simm.s32 $0x1;
	s2 =	sshll.u32 s1, $0x7  }
0x6: {  	s7 =	simm.s32 $0x2;
	s12 =	simm.s32 $0x0;
	s1 =	ssub.s32 $0x4000, s2  }
0x7: {  	s8 =	simm.s32 $0x20000;
	s13 =	simm.s32 $0x0;
	s3 =	sand.u32 $0xF80, s1  }
0x8: {  	s9 =	simm.s32 $0x0;
	s5 =	sshrl.u32 s1, $0xC;
	p0 =	sne.s32 s3, $0x0  }
.Ltmp0:
0x9: {  	s1 =	rddreg [dreg:$0x2];
	s4 =	simm.s32 @!p0 $0x0;
	(pc) =	sbr.rel .LBB1_1-.Ltmp0, $4  }
0xa: {  	s11 =	simm.s32 $0x0;
	s3 =	rddreg [dreg:$0x1];
	s5 =	sadd.s32 s4, s5  }
0xb: {  	_ =	strace $0x8000004D;
	s4 =	simm.s32 $0x1;
	s5 =	smul.u32 $0x32, s5  }
0xc: {  	s6 =	sadd.s32 $0x961400, s6;
	s10 =	smov.u32 s2;
	[sflag:s4] =	ssyncpa.u1 $0x0  }
0xd: {  	p0 =	por $0x0, $0x0;
	[sflag:s7] =	ssyncpa.u1 $0x0;
	s7 =	sor.u32 $0x1, s5  }
.LBB1_4:
0xe: {  	s16 =	sshll.u32 s13, $0x3;
	s17 =	sand.u32 $0x78, s13  }
0xf: {  	s30 =	sand.u32 $0x1F800, s13;
	s12 =	sshll.u32 s12, $0x11;
	s16 =	sand.u32 $0x3C00, s16  }
0x10: {  	[tilespmem:s15+$0x810 ss:$0x81] =	vst.msk $0xffff, v2;
	s31 =	sand.u32 $0x7, s13;
	s16 =	sor.u32 s17, s16;
	s17 =	sadd.s32 s3, s30  }
0x11: {  	[tilespmem:s15+$0x1020 ss:$0x81] =	vst.msk $0xffff, v0;
	s13 =	sshll.u32 s31, $0x12;
	s12 =	sadd.s32 s12, s17;
	s16 =	sshrl.u32 s16, $0x3  }
0x12: {  	[tilespmem:s15+$0x0 ss:$0x81] =	vst.msk $0xffff, v1;
	s13 =	sor.u32 $0x400, s13;
	s12 =	sadd.s32 s16, s12  }
0x13: {  	[hbm4b:s12+s13] =	stream.strided.scatter [tilespmem:s14], [sflag:$0x2], $0x2000, s8, s13, $0x20;
	[tilespmem:$0x8080] =	vst v63  }
.LBB1_5:
0x14: {  	s14 =	sadd.s32 $0x1, s9  }
0x15: {  	s12 =	sadd.s32 $0x1000, s10;
	s16 =	smov.u32 s10;
	p2 =	sgt.s32 s14, $0x31  }
0x16: {  	s16 =	smov.u32 @p2 s12  }
0x17: {  	s14 =	simm.s32 @p2 $0x0;
	p2 =	sgt.s32 s16, $0x3FFF  }
0x18: {  	s16 =	smov.u32 @p2 s2;
	p2 =	sne.s32 s11, s7  }
.Ltmp1:
0x19: {  	p1 =	slt.u32 s11, $0x2;
	(pc) =	sbr.rel @!p2 .LBB1_6-.Ltmp1, $4  }
0x1a: {  	s15 =	simm.s32 @!p1 $0x2  }
0x1b: {  	s13 =	smov.u32 s10;
	p0 =	por !p0, !p0;
	_ =	swait.ge @!p1 [sflag:s15], $0x2000  }
0x1c: {  	s12 =	smov.u32 s9;
	[sflag:s15] =	ssyncset.done @!p1 $0x0;
	s9 =	smov.u32 s14  }
0x1d: {  	s11 =	sadd.s32 $0x1, s11;
	[sflag:s15] =	ssyncadd.s32 @!p1 $0xFFFFE000;
	s10 =	smov.u32 s16  }
.LBB1_1:
0x1e: {  	p1 =	sge.u32 s11, s5  }
0x1f: {  	s14 =	sand.u32 @!p1 $0x1FFFFFF, s9  }
0x20: {  	s15 =	smulhi.u32 @!p1 $0x4924925, s14;
	_ =	sdelay $0x1  }
0x21: {  	s15 =	smul.u32 @!p1 $0x38, s15  }
0x22: {  	s16 =	sxor.u32 @!p1 $0xFFFFFFFF, s11;
	s17 =	smul.u32 @!p1 $0x380, s10  }
0x23: {  	s31 =	sadd.s32 $0xFFFFFFFF, s11;
	s16 =	sshll.u32 @!p1 s16, $0xD;
	s14 =	ssub.s32 @!p1 s14, s15  }
0x24: {  	s15 =	sand.u32 @!p1 $0x2000, s16;
	s16 =	sadd.s32 @!p1 s6, s17;
	s14 =	sshll.u32 @!p1 s14, $0x4  }
0x25: {  	s17 =	simm.s32 @!p1 $0x1C00;
	s14 =	sadd.s32 @!p1 s14, s16;
	s16 =	simm.s32 @!p1 $0x40  }
0x26: {  	[tilespmem:s15], [sflag:$0x1] =	stream.strided.gather @!p1 [hbm4b:s14+s16], $0x2000, s17, s16, $0x38;
	[tilespmem:$0x8080] =	vst v63  }
0x27: {  	p1 =	sge.u32 s31, s5  }
.Ltmp2:
0x28: {  	_ = 	snop;
	(pc) =	sbr.rel @p1 .LBB1_5-.Ltmp2, $1  }
0x29: {  	_ =	sdelay $0x3  }
0x2a: {  	s14 =	simm.s32 $0x1  }
0x2b: {  	_ =	swait.ge [sflag:s4], $0x2000;
	s14 =	simm.s32 @!p0 $0x0  }
0x2c: {  	[sflag:s4] =	ssyncset.done $0x0;
	s15 =	sshll.u32 s14, $0xD  }
0x2d: {  	[sflag:s4] =	ssyncadd.s32 $0xFFFFE000;
	s18 =	sor.u32 $0x20, s15  }
0x2e: {  	s14 =	smul.u32 $0x8100, s14;
	v3 =	vld [tilespmem:s18+$0x10]  }
0x2f: {  	s30 =	sand.u32 $0x1, s11;
	v2 =	vld [tilespmem:s18+$0xFFFFFFF0]  }
0x30: {  	s15 =	smul.u32 $0x8100, s30;
	s14 =	sshrl.u32 s14, $0x2;
	v0 =	vld [tilespmem:s18+$0x0]  }
0x31: {  	v1 =	vld [tilespmem:s18+$0xFFFFFFE0];
	s16 =	sor.u32 $0x4000, s14  }
0x32: {  	s31 =	sshrl.u32 s15, $0x2;
	s15 =	sadd.s32 $0x0, s16  }
0x33: {  	s17 =	simm.s32 $0x4;
	s18 =	sadd.s32 $0x40, s18;
	s14 =	sor.u32 $0x4000, s31;
	[tilespmem:s15+$0x1830 ss:$0x81] =	vst.msk $0xffff, v3  }
.LBB1_3:
0x34: {  	v3 =	vld [tilespmem:s18+$0x10];
	p1 =	sne.s32 s17, $0x1FC;
	[tilespmem:s15+$0x810 ss:$0x81] =	vst.msk $0xffff, v2;
	s19 =	smov.u32 s17;
	s17 =	sadd.s32 $0x4, s17  }
.Ltmp3:
0x35: {  	v2 =	vld [tilespmem:s18+$0xFFFFFFF0];
	[tilespmem:s15+$0x1020 ss:$0x81] =	vst.msk $0xffff, v0;
	(pc) =	sbr.rel @p1 .LBB1_3-.Ltmp3, $4  }
0x36: {  	v0 =	vld [tilespmem:s18+$0x0];
	[tilespmem:s15+$0x0 ss:$0x81] =	vst.msk $0xffff, v1  }
0x37: {  	s15 =	sshra.s32 s19, $0x2;
	v1 =	vld [tilespmem:s18+$0xFFFFFFE0]  }
0x38: {  	s15 =	sadd.s32 s15, s16  }
0x39: {  	s18 =	sadd.s32 $0x40, s18;
	[tilespmem:s15+$0x1830 ss:$0x81] =	vst.msk $0xffff, v3  }
.Ltmp4:
0x3a: {  	_ = 	snop;
	(pc) =	sbr.rel .LBB1_4-.Ltmp4, $1  }
0x3b: {  	_ =	sdelay $0x3  }
.LBB1_6:
0x3c: {  	_ =	sfence.sel $0x180000  }
0x3d: {  	s2 =	simm.s32 $0x1;
	[bflag:$0x0] =	sbarrier.arrive $0xFFFF  }
0x3e: {  	s31 =	simm.s32 $0x2;
	[sflag:s2] =	ssyncpa.u1 $0x1  }
0x3f: {  	[sflag:s31] =	ssyncpa.u1 $0x1  }
0x40: {  	p0 =	sne.s32 s0, $0x0;
	_ =	strace $0x9000004D  }
0x41: {  	s0 =	sadd.s32 @!p0 $0x100000, s1;
	[bflag:$0x2] =	sbarrier.arrive $0xFFFF  }
0x42: {  	[sflag:s0] =	ssyncadd.tile.s32 @!p0 $0x1;
	_ =	shalt  }
.Lfunc_end1:
_tile_overlayer_lowered:
.L_overlay_start_2:
0x43: {  	(tag) =	ssettag $0x2  }
0x44: {  	s0 =	rddreg [dreg:$0x0];
	s2 =	stileid.u32  }
0x45: {  	s1 =	rddreg [dreg:$0x1];
	p0 =	sne.s32 s2, $0x0  }
0x46: {  	s3 =	rddreg [dreg:$0x2];
	[bflag:$0x3] =	sbarrier.arrive $0xFFFF;
	s2 =	simm.s32 @!p0 $0x1C01  }
0x47: {  	[timem:s3], [sflag:s2] =	dma.local @!p0 [hbm:s0], s1  }
0x48: {  	s0 =	simm.s32 @!p0 $0x1  }
0x49: {  	_ =	swait.ge @!p0 [sflag:s0], s1  }
0x4a: {  	s1 =	ssub.s32 @!p0 $0x0, s1;
	[sflag:s0] =	ssyncset.done @!p0 $0x0  }
0x4b: {  	[sflag:s0] =	ssyncadd.s32 @!p0 s1  }
0x4c: {  	[bflag:$0x3] =	sbarrier.arrive $0xFFFF  }
0x4d: {  	_ =	shalt  }

</sc_bundles>
